<compile_context>
chip_gen: v7x
topology: tpu7x:2x2x1
jax: 0.10.2.dev20260603
libtpu: 0.0.44.dev20260713+nightly
codegen_flags: <defaults>
</compile_context>

<pallas_src>
import functools

import jax
import jax.numpy as jnp
from jax import lax
from jax.experimental import pallas as pl
from jax.experimental.pallas import tpu as pltpu
from jax.experimental.pallas import tpu_sc as plsc

_BATCH = 16384
_C = 32
_NW = 32
_BPW = _BATCH // _NW
_LN2 = 0.6931471805599453


def _pack_body(x_ref, o_ref):
    x = x_ref[...]
    bits = jnp.where(x > 0, 1.0, 0.0).astype(jnp.float32)
    c = lax.broadcasted_iota(jnp.int32, (8, _C), 1)
    r = lax.broadcasted_iota(jnp.int32, (8, _C), 0)
    pow2 = jnp.left_shift(1, jnp.bitwise_and(c, 15)).astype(jnp.float32)
    w = jnp.where(jnp.right_shift(c, 4) == r, pow2, 0.0)
    halves = jax.lax.dot_general(
        w, bits, (((1,), (0,)), ((), ())),
        preferred_element_type=jnp.float32)
    lo = halves[0].astype(jnp.int32)
    hi = halves[1].astype(jnp.int32)
    o_ref[...] = jnp.bitwise_or(lo, jnp.left_shift(hi, 16))


def _pack_tc(xt, n, blk):
    nblk = pl.cdiv(n, blk)
    return pl.pallas_call(
        _pack_body,
        grid=(nblk,),
        in_specs=[pl.BlockSpec((_C, blk), lambda i: (0, i))],
        out_specs=pl.BlockSpec((blk,), lambda i: (i,)),
        out_shape=jax.ShapeDtypeStruct((n,), jnp.int32),
    )(xt)


def _ln(x):
    bits = lax.bitcast_convert_type(x, jnp.int32)
    e = jnp.right_shift(bits, 23) - 127
    m_bits = jnp.bitwise_or(jnp.bitwise_and(bits, 0x007FFFFF), 0x3F800000)
    m = lax.bitcast_convert_type(m_bits, jnp.float32)
    s = (m - 1.0) / (m + 1.0)
    s2 = s * s
    p = 2.0 * s * (1.0 + s2 * (1.0 / 3.0 + s2 * (0.2 + s2 * (1.0 / 7.0 + s2 * (1.0 / 9.0)))))
    return e.astype(jnp.float32) * _LN2 + p


def _sigmoid04(x):
    return 0.4 / (1.0 + jnp.exp(-x))


def _popcount(v):
    v = v - jnp.bitwise_and(lax.shift_right_logical(v, 1), 0x55555555)
    v = jnp.bitwise_and(v, 0x33333333) + jnp.bitwise_and(
        lax.shift_right_logical(v, 2), 0x33333333)
    v = jnp.bitwise_and(v + lax.shift_right_logical(v, 4), 0x0F0F0F0F)
    return lax.shift_right_logical(v * 0x01010101, 24)


def _body(uid_hbm, qid_hbm, tbits_hbm, qbits_hbm, slip_hbm, guess_hbm, out_hbm,
          uid_v, qid_v, tb_v, qb_v, slip_v, guess_v, out_v,
          sem_t, sem_q, sem_s, sem_g):
    wid = lax.axis_index("s") * 2 + lax.axis_index("c")
    base = wid * _BPW

    pltpu.sync_copy(uid_hbm.at[pl.ds(base, _BPW)], uid_v)
    pltpu.sync_copy(qid_hbm.at[pl.ds(base, _BPW)], qid_v)

    cp_t = pltpu.async_copy(tbits_hbm.at[uid_v], tb_v, sem_t)
    cp_q = pltpu.async_copy(qbits_hbm.at[qid_v], qb_v, sem_q)
    cp_s = pltpu.async_copy(slip_hbm.at[qid_v], slip_v, sem_s)
    cp_g = pltpu.async_copy(guess_hbm.at[qid_v], guess_v, sem_g)
    cp_t.wait()
    cp_q.wait()
    cp_s.wait()
    cp_g.wait()

    def chunk(i, carry):
        tb = tb_v[pl.ds(i * 16, 16)]
        qb = qb_v[pl.ds(i * 16, 16)]
        bad = jnp.bitwise_and(qb, jnp.bitwise_not(tb))
        k = _popcount(bad)
        n = lax.bitcast_convert_type(jnp.left_shift(127 - k, 23), jnp.float32)
        sraw = slip_v[pl.ds(i * 16, 16)]
        graw = guess_v[pl.ds(i * 16, 16)]
        a = 1.0 - _sigmoid04(sraw)
        g = jnp.maximum(_sigmoid04(graw), 1e-30)
        out_v[pl.ds(i * 16, 16)] = jnp.exp(n * _ln(a) + (1.0 - n) * _ln(g))
        return carry

    lax.fori_loop(0, _BPW // 16, chunk, 0)
    pltpu.sync_copy(out_v, out_hbm.at[pl.ds(base, _BPW)])


@jax.jit
def _dina(uid, qid, theta_t, slip_1d, guess_1d, qtab_t):
    tbits = _pack_tc(theta_t, theta_t.shape[1], 65536)
    qbits = _pack_tc(qtab_t, qtab_t.shape[1], 32768)
    run = pl.kernel(
        _body,
        out_type=jax.ShapeDtypeStruct((_BATCH,), jnp.float32),
        mesh=plsc.VectorSubcoreMesh(core_axis_name="c", subcore_axis_name="s"),
        compiler_params=pltpu.CompilerParams(needs_layout_passes=False),
        scratch_types=[
            pltpu.VMEM((_BPW,), jnp.int32),
            pltpu.VMEM((_BPW,), jnp.int32),
            pltpu.VMEM((_BPW,), jnp.int32),
            pltpu.VMEM((_BPW,), jnp.int32),
            pltpu.VMEM((_BPW,), jnp.float32),
            pltpu.VMEM((_BPW,), jnp.float32),
            pltpu.VMEM((_BPW,), jnp.float32),
            pltpu.SemaphoreType.DMA,
            pltpu.SemaphoreType.DMA,
            pltpu.SemaphoreType.DMA,
            pltpu.SemaphoreType.DMA,
        ],
    )
    return run(uid, qid, tbits, qbits, slip_1d, guess_1d)


def kernel(user_id, question_id, theta_w, slip_w, guess_w, q_table):
    return _dina(
        user_id.astype(jnp.int32),
        question_id.astype(jnp.int32),
        theta_w.T,
        slip_w.reshape(-1),
        guess_w.reshape(-1),
        q_table.T,
    )

# --- scband reference (transcript-rebuilt; emitter-appended) ---
"""Pipeline reference for scband-dina-36567351558910 (READ-ONLY COPY).

The authoritative reference and input builder live on the scoring server;
editing this copy changes nothing except your own understanding.
"""

import jax, jax.numpy as jnp
import numpy as np

NUM_USER = 1000000
NUM_QUESTION = 100000
NUM_CONCEPT = 32
BATCH = 16384
MAX_SLIP = 0.4
MAX_GUESS = 0.4


def setup_inputs(seed: int = 0) -> dict:
    key = jax.random.key(seed)
    k1, k2, k3, k4, k5, k6 = jax.random.split(key, 6)
    user_id = jax.random.randint(k1, (BATCH,), 0, NUM_USER)
    question_id = jax.random.randint(k2, (BATCH,), 0, NUM_QUESTION)
    theta_w = jax.random.normal(k3, (NUM_USER, NUM_CONCEPT), dtype=jnp.float32)
    slip_w = jax.random.normal(k4, (NUM_QUESTION, 1), dtype=jnp.float32)
    guess_w = jax.random.normal(k5, (NUM_QUESTION, 1), dtype=jnp.float32)
    q_table = (jax.random.uniform(k6, (NUM_QUESTION, NUM_CONCEPT)) < 0.15).astype(jnp.float32)
    return {"user_id": user_id, "question_id": question_id, "theta_w": theta_w,
            "slip_w": slip_w, "guess_w": guess_w, "q_table": q_table}


def _ste(x):
    # StraightThroughEstimator forward: (x > 0).float()
    return (x > 0).astype(x.dtype)


def reference(user_id, question_id, theta_w, slip_w, guess_w, q_table):
    # use_ste=True branch of DINA.forward
    concept_one_hot = jnp.take(q_table, question_id, axis=0)          # [B, C] gather
    slip = jnp.squeeze(jax.nn.sigmoid(jnp.take(slip_w, question_id, axis=0)) * MAX_SLIP, axis=-1)   # [B]
    guess = jnp.squeeze(jax.nn.sigmoid(jnp.take(guess_w, question_id, axis=0)) * MAX_GUESS, axis=-1)  # [B]
    theta = _ste(jnp.take(theta_w, user_id, axis=0))                  # [B, C] gather + sign
    mask_theta = (concept_one_hot == 0).astype(jnp.float32) + (concept_one_hot == 1).astype(jnp.float32) * theta
    n = jnp.prod((mask_theta + 1.0) / 2.0, axis=-1)                   # [B]
    return jnp.power(1.0 - slip, n) * jnp.power(guess, 1.0 - n)

if __name__ == "__main__":
    import jax
    _d = setup_inputs()
    print(jax.jit(kernel)(*tuple(_d.values())))

</pallas_src>

<mosaic_0001>
#map = affine_map<(d0, d1) -> (0)>
module attributes {stable_mosaic.version = 14 : i64} {
  func.func @_body(%arg0: i32, %arg1: i32, %arg2: memref<16384xi32, #tpu.memory_space<hbm>>, %arg3: memref<16384xi32, #tpu.memory_space<hbm>>, %arg4: memref<1000000xi32, #tpu.memory_space<hbm>>, %arg5: memref<100000xi32, #tpu.memory_space<hbm>>, %arg6: memref<100000xf32, #tpu.memory_space<hbm>>, %arg7: memref<100000xf32, #tpu.memory_space<hbm>>, %arg8: memref<16384xf32, #tpu.memory_space<hbm>>, %arg9: memref<512xi32, #tpu.memory_space<vmem>>, %arg10: memref<512xi32, #tpu.memory_space<vmem>>, %arg11: memref<512xi32, #tpu.memory_space<vmem>>, %arg12: memref<512xi32, #tpu.memory_space<vmem>>, %arg13: memref<512xf32, #tpu.memory_space<vmem>>, %arg14: memref<512xf32, #tpu.memory_space<vmem>>, %arg15: memref<512xf32, #tpu.memory_space<vmem>>, %arg16: memref<!tpu.dma_semaphore, #tpu.memory_space<semaphore_mem>>, %arg17: memref<!tpu.dma_semaphore, #tpu.memory_space<semaphore_mem>>, %arg18: memref<!tpu.dma_semaphore, #tpu.memory_space<semaphore_mem>>, %arg19: memref<!tpu.dma_semaphore, #tpu.memory_space<semaphore_mem>>) attributes {dimension_semantics = [#tpu.dimension_semantics<core_parallel>, #tpu.dimension_semantics<subcore_parallel>], iteration_bounds = array<i64: 2, 16>, scalar_prefetch = 0 : i64, scratch_operands = 11 : i64, tpu.core_type = #tpu.core_type<sc_vector_subcore>, window_params = [{transform_indices = #map}, {transform_indices = #map}, {transform_indices = #map}, {transform_indices = #map}, {transform_indices = #map}, {transform_indices = #map}, {transform_indices = #map}]} {
    %mul3A = arith.constant 2 : i32
    %mul3A_0 = arith.muli %arg1, %mul3A : i32
    %add3A = arith.addi %mul3A_0, %arg0 : i32
    %mul3A_1 = arith.constant 512 : i32
    %mul3A_2 = arith.muli %add3A, %mul3A_1 : i32
    "tpu.region"() ({
      %run_scoped3A = tpu.sem_alloc : memref<!tpu.dma_semaphore, #tpu.memory_space<semaphore_mem>>
      %dma_start3A_22 = tpu.memref_slice %arg2[%mul3A_2] : memref<16384xi32, #tpu.memory_space<hbm>> -> memref<512xi32, #tpu.memory_space<hbm>>
      %dma_start3A_23 = tpu.memref_slice %arg2[%mul3A_2] : memref<16384xi32, #tpu.memory_space<hbm>> -> memref<512xi32, #tpu.memory_space<hbm>>
      tpu.enqueue_dma source(%dma_start3A_23 : memref<512xi32, #tpu.memory_space<hbm>>) target(%arg9 : memref<512xi32, #tpu.memory_space<vmem>>) target_semaphore(%run_scoped3A : memref<!tpu.dma_semaphore, #tpu.memory_space<semaphore_mem>>)
      %dma_wait3A_24 = tpu.memref_slice %arg2[%mul3A_2] : memref<16384xi32, #tpu.memory_space<hbm>> -> memref<512xi32, #tpu.memory_space<hbm>>
      %dma_wait3A_25 = tpu.memref_slice %arg2[%mul3A_2] : memref<16384xi32, #tpu.memory_space<hbm>> -> memref<512xi32, #tpu.memory_space<hbm>>
      tpu.wait_dma2 semaphore(%run_scoped3A : memref<!tpu.dma_semaphore, #tpu.memory_space<semaphore_mem>>) src(%dma_wait3A_25 : memref<512xi32, #tpu.memory_space<hbm>>) dst(%arg9 : memref<512xi32, #tpu.memory_space<vmem>>)
      tpu.yield
    }) : () -> ()
    "tpu.region"() ({
      %run_scoped3A = tpu.sem_alloc : memref<!tpu.dma_semaphore, #tpu.memory_space<semaphore_mem>>
      %dma_start3A_22 = tpu.memref_slice %arg3[%mul3A_2] : memref<16384xi32, #tpu.memory_space<hbm>> -> memref<512xi32, #tpu.memory_space<hbm>>
      %dma_start3A_23 = tpu.memref_slice %arg3[%mul3A_2] : memref<16384xi32, #tpu.memory_space<hbm>> -> memref<512xi32, #tpu.memory_space<hbm>>
      tpu.enqueue_dma source(%dma_start3A_23 : memref<512xi32, #tpu.memory_space<hbm>>) target(%arg10 : memref<512xi32, #tpu.memory_space<vmem>>) target_semaphore(%run_scoped3A : memref<!tpu.dma_semaphore, #tpu.memory_space<semaphore_mem>>)
      %dma_wait3A_24 = tpu.memref_slice %arg3[%mul3A_2] : memref<16384xi32, #tpu.memory_space<hbm>> -> memref<512xi32, #tpu.memory_space<hbm>>
      %dma_wait3A_25 = tpu.memref_slice %arg3[%mul3A_2] : memref<16384xi32, #tpu.memory_space<hbm>> -> memref<512xi32, #tpu.memory_space<hbm>>
      tpu.wait_dma2 semaphore(%run_scoped3A : memref<!tpu.dma_semaphore, #tpu.memory_space<semaphore_mem>>) src(%dma_wait3A_25 : memref<512xi32, #tpu.memory_space<hbm>>) dst(%arg10 : memref<512xi32, #tpu.memory_space<vmem>>)
      tpu.yield
    }) : () -> ()
    %dma_start3A = arith.constant 0 : i32
    %dma_start3A_3 = tpu.memref_slice %arg4[%dma_start3A] : memref<1000000xi32, #tpu.memory_space<hbm>> -> memref<1000000xi32, #tpu.memory_space<hbm>>
    tpu.enqueue_indirect_dma source(%dma_start3A_3 : memref<1000000xi32, #tpu.memory_space<hbm>>) target(%arg11 : memref<512xi32, #tpu.memory_space<vmem>>) offsets(%arg9 : memref<512xi32, #tpu.memory_space<vmem>>) semaphore(%arg16 : memref<!tpu.dma_semaphore, #tpu.memory_space<semaphore_mem>>)
    %dma_start3A_4 = arith.constant 0 : i32
    %dma_start3A_5 = tpu.memref_slice %arg5[%dma_start3A_4] : memref<100000xi32, #tpu.memory_space<hbm>> -> memref<100000xi32, #tpu.memory_space<hbm>>
    tpu.enqueue_indirect_dma source(%dma_start3A_5 : memref<100000xi32, #tpu.memory_space<hbm>>) target(%arg12 : memref<512xi32, #tpu.memory_space<vmem>>) offsets(%arg10 : memref<512xi32, #tpu.memory_space<vmem>>) semaphore(%arg17 : memref<!tpu.dma_semaphore, #tpu.memory_space<semaphore_mem>>)
    %dma_start3A_6 = arith.constant 0 : i32
    %dma_start3A_7 = tpu.memref_slice %arg6[%dma_start3A_6] : memref<100000xf32, #tpu.memory_space<hbm>> -> memref<100000xf32, #tpu.memory_space<hbm>>
    tpu.enqueue_indirect_dma source(%dma_start3A_7 : memref<100000xf32, #tpu.memory_space<hbm>>) target(%arg13 : memref<512xf32, #tpu.memory_space<vmem>>) offsets(%arg10 : memref<512xi32, #tpu.memory_space<vmem>>) semaphore(%arg18 : memref<!tpu.dma_semaphore, #tpu.memory_space<semaphore_mem>>)
    %dma_start3A_8 = arith.constant 0 : i32
    %dma_start3A_9 = tpu.memref_slice %arg7[%dma_start3A_8] : memref<100000xf32, #tpu.memory_space<hbm>> -> memref<100000xf32, #tpu.memory_space<hbm>>
    tpu.enqueue_indirect_dma source(%dma_start3A_9 : memref<100000xf32, #tpu.memory_space<hbm>>) target(%arg14 : memref<512xf32, #tpu.memory_space<vmem>>) offsets(%arg10 : memref<512xi32, #tpu.memory_space<vmem>>) semaphore(%arg19 : memref<!tpu.dma_semaphore, #tpu.memory_space<semaphore_mem>>)
    %dma_wait3A = arith.constant 0 : i32
    %dma_wait3A_10 = tpu.memref_slice %arg4[%dma_wait3A] : memref<1000000xi32, #tpu.memory_space<hbm>> -> memref<1000000xi32, #tpu.memory_space<hbm>>
    tpu.wait_indirect_dma semaphore(%arg16 : memref<!tpu.dma_semaphore, #tpu.memory_space<semaphore_mem>>) src(%dma_wait3A_10 : memref<1000000xi32, #tpu.memory_space<hbm>>) dst(%arg11 : memref<512xi32, #tpu.memory_space<vmem>>)
    %dma_wait3A_11 = arith.constant 0 : i32
    %dma_wait3A_12 = tpu.memref_slice %arg5[%dma_wait3A_11] : memref<100000xi32, #tpu.memory_space<hbm>> -> memref<100000xi32, #tpu.memory_space<hbm>>
    tpu.wait_indirect_dma semaphore(%arg17 : memref<!tpu.dma_semaphore, #tpu.memory_space<semaphore_mem>>) src(%dma_wait3A_12 : memref<100000xi32, #tpu.memory_space<hbm>>) dst(%arg12 : memref<512xi32, #tpu.memory_space<vmem>>)
    %dma_wait3A_13 = arith.constant 0 : i32
    %dma_wait3A_14 = tpu.memref_slice %arg6[%dma_wait3A_13] : memref<100000xf32, #tpu.memory_space<hbm>> -> memref<100000xf32, #tpu.memory_space<hbm>>
    tpu.wait_indirect_dma semaphore(%arg18 : memref<!tpu.dma_semaphore, #tpu.memory_space<semaphore_mem>>) src(%dma_wait3A_14 : memref<100000xf32, #tpu.memory_space<hbm>>) dst(%arg13 : memref<512xf32, #tpu.memory_space<vmem>>)
    %dma_wait3A_15 = arith.constant 0 : i32
    %dma_wait3A_16 = tpu.memref_slice %arg7[%dma_wait3A_15] : memref<100000xf32, #tpu.memory_space<hbm>> -> memref<100000xf32, #tpu.memory_space<hbm>>
    tpu.wait_indirect_dma semaphore(%arg19 : memref<!tpu.dma_semaphore, #tpu.memory_space<semaphore_mem>>) src(%dma_wait3A_16 : memref<100000xf32, #tpu.memory_space<hbm>>) dst(%arg14 : memref<512xf32, #tpu.memory_space<vmem>>)
    %scan3A = arith.constant 0 : i32
    %scan3A_17 = arith.constant 0 : i32
    %scan3A_18 = arith.constant 32 : i32
    %scan3A_19 = arith.addi %scan3A_17, %scan3A_18 : i32
    %scan3A_20 = arith.constant 1 : i32
    scf.for %scan3A_22 = %scan3A_17 to %scan3A_19 step %scan3A_20  : i32 {
      %mul3A_23 = arith.constant 16 : i32
      %mul3A_24 = arith.muli %scan3A_22, %mul3A_23 : i32
      %get3A = arith.index_cast %mul3A_24 : i32 to index
      %get3A_25 = tpu.vector_load %arg11[%get3A] {strides = array<i32>} : memref<512xi32, #tpu.memory_space<vmem>>, vector<16xi32>,
      %mul3A_26 = arith.constant 16 : i32
      %mul3A_27 = arith.muli %scan3A_22, %mul3A_26 : i32
      %get3A_28 = arith.index_cast %mul3A_27 : i32 to index
      %get3A_29 = tpu.vector_load %arg12[%get3A_28] {strides = array<i32>} : memref<512xi32, #tpu.memory_space<vmem>>, vector<16xi32>,
      %not3A = arith.constant dense<-1> : vector<16xi32>
      %not3A_30 = arith.xori %get3A_25, %not3A : vector<16xi32>
      %and3A = arith.andi %get3A_29, %not3A_30 : vector<16xi32>
      %shift_right_logical3A = arith.constant 1 : i32
      %shift_right_logical3A_31 = vector.broadcast %shift_right_logical3A : i32 to vector<16xi32>
      %shift_right_logical3A_32 = arith.shrui %and3A, %shift_right_logical3A_31 : vector<16xi32>
      %and3A_33 = arith.constant 1431655765 : i32
      %and3A_34 = vector.broadcast %and3A_33 : i32 to vector<16xi32>
      %and3A_35 = arith.andi %shift_right_logical3A_32, %and3A_34 : vector<16xi32>
      %sub3A = arith.subi %and3A, %and3A_35 : vector<16xi32>
      %and3A_36 = arith.constant 858993459 : i32
      %and3A_37 = vector.broadcast %and3A_36 : i32 to vector<16xi32>
      %and3A_38 = arith.andi %sub3A, %and3A_37 : vector<16xi32>
      %shift_right_logical3A_39 = arith.constant 2 : i32
      %shift_right_logical3A_40 = vector.broadcast %shift_right_logical3A_39 : i32 to vector<16xi32>
      %shift_right_logical3A_41 = arith.shrui %sub3A, %shift_right_logical3A_40 : vector<16xi32>
      %and3A_42 = arith.constant 858993459 : i32
      %and3A_43 = vector.broadcast %and3A_42 : i32 to vector<16xi32>
      %and3A_44 = arith.andi %shift_right_logical3A_41, %and3A_43 : vector<16xi32>
      %add3A_45 = arith.addi %and3A_38, %and3A_44 : vector<16xi32>
      %shift_right_logical3A_46 = arith.constant 4 : i32
      %shift_right_logical3A_47 = vector.broadcast %shift_right_logical3A_46 : i32 to vector<16xi32>
      %shift_right_logical3A_48 = arith.shrui %add3A_45, %shift_right_logical3A_47 : vector<16xi32>
      %add3A_49 = arith.addi %add3A_45, %shift_right_logical3A_48 : vector<16xi32>
      %and3A_50 = arith.constant 252645135 : i32
      %and3A_51 = vector.broadcast %and3A_50 : i32 to vector<16xi32>
      %and3A_52 = arith.andi %add3A_49, %and3A_51 : vector<16xi32>
      %mul3A_53 = arith.constant 16843009 : i32
      %mul3A_54 = vector.broadcast %mul3A_53 : i32 to vector<16xi32>
      %mul3A_55 = arith.muli %and3A_52, %mul3A_54 : vector<16xi32>
      %shift_right_logical3A_56 = arith.constant 24 : i32
      %shift_right_logical3A_57 = vector.broadcast %shift_right_logical3A_56 : i32 to vector<16xi32>
      %shift_right_logical3A_58 = arith.shrui %mul3A_55, %shift_right_logical3A_57 : vector<16xi32>
      %sub3A_59 = arith.constant 127 : i32
      %sub3A_60 = vector.broadcast %sub3A_59 : i32 to vector<16xi32>
      %sub3A_61 = arith.subi %sub3A_60, %shift_right_logical3A_58 : vector<16xi32>
      %shift_left3A = arith.constant 23 : i32
      %shift_left3A_62 = vector.broadcast %shift_left3A : i32 to vector<16xi32>
      %shift_left3A_63 = arith.shli %sub3A_61, %shift_left3A_62 : vector<16xi32>
      %bitcast_convert_type3A = tpu.bitcast %shift_left3A_63 : vector<16xi32> -> vector<16xf32>
      %mul3A_64 = arith.constant 16 : i32
      %mul3A_65 = arith.muli %scan3A_22, %mul3A_64 : i32
      %get3A_66 = arith.index_cast %mul3A_65 : i32 to index
      %get3A_67 = tpu.vector_load %arg13[%get3A_66] {strides = array<i32>} : memref<512xf32, #tpu.memory_space<vmem>>, vector<16xf32>,
      %mul3A_68 = arith.constant 16 : i32
      %mul3A_69 = arith.muli %scan3A_22, %mul3A_68 : i32
      %get3A_70 = arith.index_cast %mul3A_69 : i32 to index
      %get3A_71 = tpu.vector_load %arg14[%get3A_70] {strides = array<i32>} : memref<512xf32, #tpu.memory_space<vmem>>, vector<16xf32>,
      %neg3A = arith.constant 0.000000e+00 : f32
      %neg3A_72 = vector.broadcast %neg3A : f32 to vector<16xf32>
      %neg3A_73 = arith.subf %neg3A_72, %get3A_67 : vector<16xf32>
      %exp3A = math.exp %neg3A_73 : vector<16xf32>
      %add3A_74 = arith.constant 1.000000e+00 : f32
      %add3A_75 = vector.broadcast %add3A_74 : f32 to vector<16xf32>
      %add3A_76 = arith.addf %add3A_75, %exp3A : vector<16xf32>
      %div3A = arith.constant 4.000000e-01 : f32
      %div3A_77 = vector.broadcast %div3A : f32 to vector<16xf32>
      %div3A_78 = arith.divf %div3A_77, %add3A_76 : vector<16xf32>
      %sub3A_79 = arith.constant 1.000000e+00 : f32
      %sub3A_80 = vector.broadcast %sub3A_79 : f32 to vector<16xf32>
      %sub3A_81 = arith.subf %sub3A_80, %div3A_78 : vector<16xf32>
      %neg3A_82 = arith.constant 0.000000e+00 : f32
      %neg3A_83 = vector.broadcast %neg3A_82 : f32 to vector<16xf32>
      %neg3A_84 = arith.subf %neg3A_83, %get3A_71 : vector<16xf32>
      %exp3A_85 = math.exp %neg3A_84 : vector<16xf32>
      %add3A_86 = arith.constant 1.000000e+00 : f32
      %add3A_87 = vector.broadcast %add3A_86 : f32 to vector<16xf32>
      %add3A_88 = arith.addf %add3A_87, %exp3A_85 : vector<16xf32>
      %div3A_89 = arith.constant 4.000000e-01 : f32
      %div3A_90 = vector.broadcast %div3A_89 : f32 to vector<16xf32>
      %div3A_91 = arith.divf %div3A_90, %add3A_88 : vector<16xf32>
      %max3A = arith.constant 1.000000e-30 : f32
      %max3A_92 = vector.broadcast %max3A : f32 to vector<16xf32>
      %max3A_93 = arith.maximumf %div3A_91, %max3A_92 : vector<16xf32>
      %bitcast_convert_type3A_94 = tpu.bitcast %sub3A_81 : vector<16xf32> -> vector<16xi32>
      %shift_right_arithmetic3A = arith.constant 23 : i32
      %shift_right_arithmetic3A_95 = vector.broadcast %shift_right_arithmetic3A : i32 to vector<16xi32>
      %shift_right_arithmetic3A_96 = arith.shrsi %bitcast_convert_type3A_94, %shift_right_arithmetic3A_95 : vector<16xi32>
      %sub3A_97 = arith.constant 127 : i32
      %sub3A_98 = vector.broadcast %sub3A_97 : i32 to vector<16xi32>
      %sub3A_99 = arith.subi %shift_right_arithmetic3A_96, %sub3A_98 : vector<16xi32>
      %and3A_100 = arith.constant 8388607 : i32
      %and3A_101 = vector.broadcast %and3A_100 : i32 to vector<16xi32>
      %and3A_102 = arith.andi %bitcast_convert_type3A_94, %and3A_101 : vector<16xi32>
      %or3A = arith.constant 1065353216 : i32
      %or3A_103 = vector.broadcast %or3A : i32 to vector<16xi32>
      %or3A_104 = arith.ori %and3A_102, %or3A_103 : vector<16xi32>
      %bitcast_convert_type3A_105 = tpu.bitcast %or3A_104 : vector<16xi32> -> vector<16xf32>
      %sub3A_106 = arith.constant 1.000000e+00 : f32
      %sub3A_107 = vector.broadcast %sub3A_106 : f32 to vector<16xf32>
      %sub3A_108 = arith.subf %bitcast_convert_type3A_105, %sub3A_107 : vector<16xf32>
      %add3A_109 = arith.constant 1.000000e+00 : f32
      %add3A_110 = vector.broadcast %add3A_109 : f32 to vector<16xf32>
      %add3A_111 = arith.addf %bitcast_convert_type3A_105, %add3A_110 : vector<16xf32>
      %div3A_112 = arith.divf %sub3A_108, %add3A_111 : vector<16xf32>
      %mul3A_113 = arith.mulf %div3A_112, %div3A_112 : vector<16xf32>
      %mul3A_114 = arith.constant 2.000000e+00 : f32
      %mul3A_115 = vector.broadcast %mul3A_114 : f32 to vector<16xf32>
      %mul3A_116 = arith.mulf %mul3A_115, %div3A_112 : vector<16xf32>
      %mul3A_117 = arith.constant 0.111111112 : f32
      %mul3A_118 = vector.broadcast %mul3A_117 : f32 to vector<16xf32>
      %mul3A_119 = arith.mulf %mul3A_113, %mul3A_118 : vector<16xf32>
      %add3A_120 = arith.constant 0.142857149 : f32
      %add3A_121 = vector.broadcast %add3A_120 : f32 to vector<16xf32>
      %add3A_122 = arith.addf %add3A_121, %mul3A_119 : vector<16xf32>
      %mul3A_123 = arith.mulf %mul3A_113, %add3A_122 : vector<16xf32>
      %add3A_124 = arith.constant 2.000000e-01 : f32
      %add3A_125 = vector.broadcast %add3A_124 : f32 to vector<16xf32>
      %add3A_126 = arith.addf %add3A_125, %mul3A_123 : vector<16xf32>
      %mul3A_127 = arith.mulf %mul3A_113, %add3A_126 : vector<16xf32>
      %add3A_128 = arith.constant 0.333333343 : f32
      %add3A_129 = vector.broadcast %add3A_128 : f32 to vector<16xf32>
      %add3A_130 = arith.addf %add3A_129, %mul3A_127 : vector<16xf32>
      %mul3A_131 = arith.mulf %mul3A_113, %add3A_130 : vector<16xf32>
      %add3A_132 = arith.constant 1.000000e+00 : f32
      %add3A_133 = vector.broadcast %add3A_132 : f32 to vector<16xf32>
      %add3A_134 = arith.addf %add3A_133, %mul3A_131 : vector<16xf32>
      %mul3A_135 = arith.mulf %mul3A_116, %add3A_134 : vector<16xf32>
      %convert_element_type3A = arith.sitofp %sub3A_99 : vector<16xi32> to vector<16xf32>
      %mul3A_136 = arith.constant 0.693147182 : f32
      %mul3A_137 = vector.broadcast %mul3A_136 : f32 to vector<16xf32>
      %mul3A_138 = arith.mulf %convert_element_type3A, %mul3A_137 : vector<16xf32>
      %add3A_139 = arith.addf %mul3A_138, %mul3A_135 : vector<16xf32>
      %mul3A_140 = arith.mulf %bitcast_convert_type3A, %add3A_139 : vector<16xf32>
      %sub3A_141 = arith.constant 1.000000e+00 : f32
      %sub3A_142 = vector.broadcast %sub3A_141 : f32 to vector<16xf32>
      %sub3A_143 = arith.subf %sub3A_142, %bitcast_convert_type3A : vector<16xf32>
      %bitcast_convert_type3A_144 = tpu.bitcast %max3A_93 : vector<16xf32> -> vector<16xi32>
      %shift_right_arithmetic3A_145 = arith.constant 23 : i32
      %shift_right_arithmetic3A_146 = vector.broadcast %shift_right_arithmetic3A_145 : i32 to vector<16xi32>
      %shift_right_arithmetic3A_147 = arith.shrsi %bitcast_convert_type3A_144, %shift_right_arithmetic3A_146 : vector<16xi32>
      %sub3A_148 = arith.constant 127 : i32
      %sub3A_149 = vector.broadcast %sub3A_148 : i32 to vector<16xi32>
      %sub3A_150 = arith.subi %shift_right_arithmetic3A_147, %sub3A_149 : vector<16xi32>
      %and3A_151 = arith.constant 8388607 : i32
      %and3A_152 = vector.broadcast %and3A_151 : i32 to vector<16xi32>
      %and3A_153 = arith.andi %bitcast_convert_type3A_144, %and3A_152 : vector<16xi32>
      %or3A_154 = arith.constant 1065353216 : i32
      %or3A_155 = vector.broadcast %or3A_154 : i32 to vector<16xi32>
      %or3A_156 = arith.ori %and3A_153, %or3A_155 : vector<16xi32>
      %bitcast_convert_type3A_157 = tpu.bitcast %or3A_156 : vector<16xi32> -> vector<16xf32>
      %sub3A_158 = arith.constant 1.000000e+00 : f32
      %sub3A_159 = vector.broadcast %sub3A_158 : f32 to vector<16xf32>
      %sub3A_160 = arith.subf %bitcast_convert_type3A_157, %sub3A_159 : vector<16xf32>
      %add3A_161 = arith.constant 1.000000e+00 : f32
      %add3A_162 = vector.broadcast %add3A_161 : f32 to vector<16xf32>
      %add3A_163 = arith.addf %bitcast_convert_type3A_157, %add3A_162 : vector<16xf32>
      %div3A_164 = arith.divf %sub3A_160, %add3A_163 : vector<16xf32>
      %mul3A_165 = arith.mulf %div3A_164, %div3A_164 : vector<16xf32>
      %mul3A_166 = arith.constant 2.000000e+00 : f32
      %mul3A_167 = vector.broadcast %mul3A_166 : f32 to vector<16xf32>
      %mul3A_168 = arith.mulf %mul3A_167, %div3A_164 : vector<16xf32>
      %mul3A_169 = arith.constant 0.111111112 : f32
      %mul3A_170 = vector.broadcast %mul3A_169 : f32 to vector<16xf32>
      %mul3A_171 = arith.mulf %mul3A_165, %mul3A_170 : vector<16xf32>
      %add3A_172 = arith.constant 0.142857149 : f32
      %add3A_173 = vector.broadcast %add3A_172 : f32 to vector<16xf32>
      %add3A_174 = arith.addf %add3A_173, %mul3A_171 : vector<16xf32>
      %mul3A_175 = arith.mulf %mul3A_165, %add3A_174 : vector<16xf32>
      %add3A_176 = arith.constant 2.000000e-01 : f32
      %add3A_177 = vector.broadcast %add3A_176 : f32 to vector<16xf32>
      %add3A_178 = arith.addf %add3A_177, %mul3A_175 : vector<16xf32>
      %mul3A_179 = arith.mulf %mul3A_165, %add3A_178 : vector<16xf32>
      %add3A_180 = arith.constant 0.333333343 : f32
      %add3A_181 = vector.broadcast %add3A_180 : f32 to vector<16xf32>
      %add3A_182 = arith.addf %add3A_181, %mul3A_179 : vector<16xf32>
      %mul3A_183 = arith.mulf %mul3A_165, %add3A_182 : vector<16xf32>
      %add3A_184 = arith.constant 1.000000e+00 : f32
      %add3A_185 = vector.broadcast %add3A_184 : f32 to vector<16xf32>
      %add3A_186 = arith.addf %add3A_185, %mul3A_183 : vector<16xf32>
      %mul3A_187 = arith.mulf %mul3A_168, %add3A_186 : vector<16xf32>
      %convert_element_type3A_188 = arith.sitofp %sub3A_150 : vector<16xi32> to vector<16xf32>
      %mul3A_189 = arith.constant 0.693147182 : f32
      %mul3A_190 = vector.broadcast %mul3A_189 : f32 to vector<16xf32>
      %mul3A_191 = arith.mulf %convert_element_type3A_188, %mul3A_190 : vector<16xf32>
      %add3A_192 = arith.addf %mul3A_191, %mul3A_187 : vector<16xf32>
      %mul3A_193 = arith.mulf %sub3A_143, %add3A_192 : vector<16xf32>
      %add3A_194 = arith.addf %mul3A_140, %mul3A_193 : vector<16xf32>
      %exp3A_195 = math.exp %add3A_194 : vector<16xf32>
      %mul3A_196 = arith.constant 16 : i32
      %mul3A_197 = arith.muli %scan3A_22, %mul3A_196 : i32
      %swap3A = arith.index_cast %mul3A_197 : i32 to index
      %swap3A_198 = tpu.vector_load %arg15[%swap3A] {strides = array<i32>} : memref<512xf32, #tpu.memory_space<vmem>>, vector<16xf32>,
      tpu.vector_store %arg15[%swap3A], %exp3A_195 {strides = array<i32>} : memref<512xf32, #tpu.memory_space<vmem>>, vector<16xf32>,
    }
    %scan3A_21 = arith.constant 32 : i32
    "tpu.region"() ({
      %run_scoped3A = tpu.sem_alloc : memref<!tpu.dma_semaphore, #tpu.memory_space<semaphore_mem>>
      %dma_start3A_22 = tpu.memref_slice %arg8[%mul3A_2] : memref<16384xf32, #tpu.memory_space<hbm>> -> memref<512xf32, #tpu.memory_space<hbm>>
      %dma_start3A_23 = tpu.memref_slice %arg8[%mul3A_2] : memref<16384xf32, #tpu.memory_space<hbm>> -> memref<512xf32, #tpu.memory_space<hbm>>
      tpu.enqueue_dma source(%arg15 : memref<512xf32, #tpu.memory_space<vmem>>) target(%dma_start3A_23 : memref<512xf32, #tpu.memory_space<hbm>>) target_semaphore(%run_scoped3A : memref<!tpu.dma_semaphore, #tpu.memory_space<semaphore_mem>>)
      %dma_wait3A_24 = tpu.memref_slice %arg8[%mul3A_2] : memref<16384xf32, #tpu.memory_space<hbm>> -> memref<512xf32, #tpu.memory_space<hbm>>
      %dma_wait3A_25 = tpu.memref_slice %arg8[%mul3A_2] : memref<16384xf32, #tpu.memory_space<hbm>> -> memref<512xf32, #tpu.memory_space<hbm>>
      tpu.wait_dma2 semaphore(%run_scoped3A : memref<!tpu.dma_semaphore, #tpu.memory_space<semaphore_mem>>) src(%arg15 : memref<512xf32, #tpu.memory_space<vmem>>) dst(%dma_wait3A_25 : memref<512xf32, #tpu.memory_space<hbm>>)
      tpu.yield
    }) : () -> ()
    return
  }
}

module attributes {stable_mosaic.version = 14 : i64} {
  func.func @_pack_body(%arg0: i32, %arg1: memref<32x32768xf32, #tpu.memory_space<vmem>>, %arg2: memref<32768xi32, #tpu.memory_space<vmem>>) attributes {dimension_semantics = [#tpu.dimension_semantics<arbitrary>], iteration_bounds = array<i64: 4>, scalar_prefetch = 0 : i64, scratch_operands = 0 : i64, tpu.core_type = #tpu.core_type<tc>, window_params = [{transform_indices = @transform_0, window_bounds = array<i64: 32, 32768>}, {transform_indices = @transform_1, window_bounds = array<i64: 32768>}]} {
    %get3A = arith.constant 0 : index
    %get3A_0 = arith.constant 0 : index
    %get3A_1 = vector.load %arg1[%get3A, %get3A_0] : memref<32x32768xf32, #tpu.memory_space<vmem>>, vector<32x32768xf32>
    %gt3A = arith.constant 0.000000e+00 : f32
    %gt3A_2 = vector.broadcast %gt3A : f32 to vector<32x32768xf32>
    %gt3A_3 = arith.cmpf ogt, %get3A_1, %gt3A_2 : vector<32x32768xf32>
    %jit3A = arith.constant 1.000000e+00 : f32
    %jit3A_4 = arith.constant 0.000000e+00 : f32
    %broadcast_in_dim3A = vector.broadcast %jit3A : f32 to vector<32x32768xf32>
    %broadcast_in_dim3A_5 = vector.broadcast %jit3A_4 : f32 to vector<32x32768xf32>
    %select_n3A = arith.select %gt3A_3, %broadcast_in_dim3A, %broadcast_in_dim3A_5 : vector<32x32768xi1>, vector<32x32768xf32>
    %iota3A = tpu.iota {dimensions = array<i32: 1>} : vector<8x32xi32>
    %iota3A_6 = tpu.iota {dimensions = array<i32: 0>} : vector<8x32xi32>
    %and3A = arith.constant 15 : i32
    %and3A_7 = vector.broadcast %and3A : i32 to vector<8x32xi32>
    %and3A_8 = arith.andi %iota3A, %and3A_7 : vector<8x32xi32>
    %shift_left3A = arith.constant 1 : i32
    %shift_left3A_9 = vector.broadcast %shift_left3A : i32 to vector<8x32xi32>
    %shift_left3A_10 = arith.shli %shift_left3A_9, %and3A_8 : vector<8x32xi32>
    %convert_element_type3A = arith.sitofp %shift_left3A_10 : vector<8x32xi32> to vector<8x32xf32>
    %shift_right_arithmetic3A = arith.constant 4 : i32
    %shift_right_arithmetic3A_11 = vector.broadcast %shift_right_arithmetic3A : i32 to vector<8x32xi32>
    %shift_right_arithmetic3A_12 = arith.shrsi %iota3A, %shift_right_arithmetic3A_11 : vector<8x32xi32>
    %eq3A = arith.cmpi eq, %shift_right_arithmetic3A_12, %iota3A_6 : vector<8x32xi32>
    %jit3A_13 = arith.constant 0.000000e+00 : f32
    %broadcast_in_dim3A_14 = vector.broadcast %jit3A_13 : f32 to vector<8x32xf32>
    %select_n3A_15 = arith.select %eq3A, %convert_element_type3A, %broadcast_in_dim3A_14 : vector<8x32xi1>, vector<8x32xf32>
    %dot_general3A = arith.constant dense<0.000000e+00> : vector<8x32768xf32>
    %dot_general3A_16 = tpu.matmul %select_n3A_15, %select_n3A, %dot_general3A {dimension_numbers = #tpu.dot_dimension_numbers<[1], [0], [0], [1], [0, 0, 1, 1], [], []>, transpose_lhs_hint = false} : vector<8x32xf32>, vector<32x32768xf32>, vector<8x32768xf32> -> vector<8x32768xf32>
    %slice3A = vector.extract_strided_slice %dot_general3A_16 {offsets = [0, 0], sizes = [1, 32768], strides = [1, 1]} : vector<8x32768xf32> to vector<1x32768xf32>
    %squeeze3A = vector.shape_cast %slice3A : vector<1x32768xf32> to vector<32768xf32>
    %convert_element_type3A_17 = arith.fptosi %squeeze3A : vector<32768xf32> to vector<32768xi32>
    %slice3A_18 = vector.extract_strided_slice %dot_general3A_16 {offsets = [1, 0], sizes = [1, 32768], strides = [1, 1]} : vector<8x32768xf32> to vector<1x32768xf32>
    %squeeze3A_19 = vector.shape_cast %slice3A_18 : vector<1x32768xf32> to vector<32768xf32>
    %convert_element_type3A_20 = arith.fptosi %squeeze3A_19 : vector<32768xf32> to vector<32768xi32>
    %shift_left3A_21 = arith.constant 16 : i32
    %shift_left3A_22 = vector.broadcast %shift_left3A_21 : i32 to vector<32768xi32>
    %shift_left3A_23 = arith.shli %convert_element_type3A_20, %shift_left3A_22 : vector<32768xi32>
    %or3A = arith.ori %convert_element_type3A_17, %shift_left3A_23 : vector<32768xi32>
    %swap3A = arith.constant 0 : index
    %swap3A_24 = vector.load %arg2[%swap3A] : memref<32768xi32, #tpu.memory_space<vmem>>, vector<32768xi32>
    tpu.vector_store %arg2[%swap3A], %or3A {strides = array<i32>} : memref<32768xi32, #tpu.memory_space<vmem>>, vector<32768xi32>,
    return
  }
  func.func @transform_0(%arg0: i32) -> (i32, i32) {
    %c0_i32 = arith.constant 0 : i32
    %c0_i32_0 = arith.constant 0 : i32
    return %c0_i32, %arg0 : i32, i32
  }
  func.func @transform_1(%arg0: i32) -> i32 {
    %c0_i32 = arith.constant 0 : i32
    return %arg0 : i32
  }
}

module attributes {stable_mosaic.version = 14 : i64} {
  func.func @_pack_body(%arg0: i32, %arg1: memref<32x65536xf32, #tpu.memory_space<vmem>>, %arg2: memref<65536xi32, #tpu.memory_space<vmem>>) attributes {dimension_semantics = [#tpu.dimension_semantics<arbitrary>], iteration_bounds = array<i64: 16>, scalar_prefetch = 0 : i64, scratch_operands = 0 : i64, tpu.core_type = #tpu.core_type<tc>, window_params = [{transform_indices = @transform_0, window_bounds = array<i64: 32, 65536>}, {transform_indices = @transform_1, window_bounds = array<i64: 65536>}]} {
    %get3A = arith.constant 0 : index
    %get3A_0 = arith.constant 0 : index
    %get3A_1 = vector.load %arg1[%get3A, %get3A_0] : memref<32x65536xf32, #tpu.memory_space<vmem>>, vector<32x65536xf32>
    %gt3A = arith.constant 0.000000e+00 : f32
    %gt3A_2 = vector.broadcast %gt3A : f32 to vector<32x65536xf32>
    %gt3A_3 = arith.cmpf ogt, %get3A_1, %gt3A_2 : vector<32x65536xf32>
    %jit3A = arith.constant 1.000000e+00 : f32
    %jit3A_4 = arith.constant 0.000000e+00 : f32
    %broadcast_in_dim3A = vector.broadcast %jit3A : f32 to vector<32x65536xf32>
    %broadcast_in_dim3A_5 = vector.broadcast %jit3A_4 : f32 to vector<32x65536xf32>
    %select_n3A = arith.select %gt3A_3, %broadcast_in_dim3A, %broadcast_in_dim3A_5 : vector<32x65536xi1>, vector<32x65536xf32>
    %iota3A = tpu.iota {dimensions = array<i32: 1>} : vector<8x32xi32>
    %iota3A_6 = tpu.iota {dimensions = array<i32: 0>} : vector<8x32xi32>
    %and3A = arith.constant 15 : i32
    %and3A_7 = vector.broadcast %and3A : i32 to vector<8x32xi32>
    %and3A_8 = arith.andi %iota3A, %and3A_7 : vector<8x32xi32>
    %shift_left3A = arith.constant 1 : i32
    %shift_left3A_9 = vector.broadcast %shift_left3A : i32 to vector<8x32xi32>
    %shift_left3A_10 = arith.shli %shift_left3A_9, %and3A_8 : vector<8x32xi32>
    %convert_element_type3A = arith.sitofp %shift_left3A_10 : vector<8x32xi32> to vector<8x32xf32>
    %shift_right_arithmetic3A = arith.constant 4 : i32
    %shift_right_arithmetic3A_11 = vector.broadcast %shift_right_arithmetic3A : i32 to vector<8x32xi32>
    %shift_right_arithmetic3A_12 = arith.shrsi %iota3A, %shift_right_arithmetic3A_11 : vector<8x32xi32>
    %eq3A = arith.cmpi eq, %shift_right_arithmetic3A_12, %iota3A_6 : vector<8x32xi32>
    %jit3A_13 = arith.constant 0.000000e+00 : f32
    %broadcast_in_dim3A_14 = vector.broadcast %jit3A_13 : f32 to vector<8x32xf32>
    %select_n3A_15 = arith.select %eq3A, %convert_element_type3A, %broadcast_in_dim3A_14 : vector<8x32xi1>, vector<8x32xf32>
    %dot_general3A = arith.constant dense<0.000000e+00> : vector<8x65536xf32>
    %dot_general3A_16 = tpu.matmul %select_n3A_15, %select_n3A, %dot_general3A {dimension_numbers = #tpu.dot_dimension_numbers<[1], [0], [0], [1], [0, 0, 1, 1], [], []>, transpose_lhs_hint = false} : vector<8x32xf32>, vector<32x65536xf32>, vector<8x65536xf32> -> vector<8x65536xf32>
    %slice3A = vector.extract_strided_slice %dot_general3A_16 {offsets = [0, 0], sizes = [1, 65536], strides = [1, 1]} : vector<8x65536xf32> to vector<1x65536xf32>
    %squeeze3A = vector.shape_cast %slice3A : vector<1x65536xf32> to vector<65536xf32>
    %convert_element_type3A_17 = arith.fptosi %squeeze3A : vector<65536xf32> to vector<65536xi32>
    %slice3A_18 = vector.extract_strided_slice %dot_general3A_16 {offsets = [1, 0], sizes = [1, 65536], strides = [1, 1]} : vector<8x65536xf32> to vector<1x65536xf32>
    %squeeze3A_19 = vector.shape_cast %slice3A_18 : vector<1x65536xf32> to vector<65536xf32>
    %convert_element_type3A_20 = arith.fptosi %squeeze3A_19 : vector<65536xf32> to vector<65536xi32>
    %shift_left3A_21 = arith.constant 16 : i32
    %shift_left3A_22 = vector.broadcast %shift_left3A_21 : i32 to vector<65536xi32>
    %shift_left3A_23 = arith.shli %convert_element_type3A_20, %shift_left3A_22 : vector<65536xi32>
    %or3A = arith.ori %convert_element_type3A_17, %shift_left3A_23 : vector<65536xi32>
    %swap3A = arith.constant 0 : index
    %swap3A_24 = vector.load %arg2[%swap3A] : memref<65536xi32, #tpu.memory_space<vmem>>, vector<65536xi32>
    tpu.vector_store %arg2[%swap3A], %or3A {strides = array<i32>} : memref<65536xi32, #tpu.memory_space<vmem>>, vector<65536xi32>,
    return
  }
  func.func @transform_0(%arg0: i32) -> (i32, i32) {
    %c0_i32 = arith.constant 0 : i32
    %c0_i32_0 = arith.constant 0 : i32
    return %c0_i32, %arg0 : i32, i32
  }
  func.func @transform_1(%arg0: i32) -> i32 {
    %c0_i32 = arith.constant 0 : i32
    return %arg0 : i32
  }
}

</mosaic_0001>

<sc_bundles>
// kernel: _dina.5.cloned.1.call-start
scs
__scs_entry_jumppad:
0x0: {  	(pc) =	sbr.rel $0x88, $3  }
0x1: {  	(tag) =	ssettag $0x0;
	lr =	simm.s32 $0x1  }
0x2: {  	[smem:$0x3F9B] =	sst lr;
	_ =	strace $0xD0000000  }
0x3: {  	_ = 	snop  }
0x4: {  	_ = 	snop  }
0x5: {  	_ = 	snop  }
0x6: {  	_ = 	snop  }
0x7: {  	_ = 	snop  }
__scs_overlays_trampoline_lowered:
0x8: {  	[smem:$0x3FAA] =	sst s0  }
0x9: {  	[smem:$0x3FAB] =	sst s1  }
0xa: {  	[smem:$0x3FAC] =	sst s2  }
0xb: {  	[smem:$0x3FAD] =	sst s3  }
0xc: {  	[smem:$0x3FAE] =	sst s4  }
0xd: {  	[smem:$0x3FAF] =	sst s5  }
0xe: {  	[smem:$0x3FB0] =	sst s6  }
0xf: {  	[smem:$0x3FB1] =	sst s7  }
0x10: {  	[smem:$0x3FB2] =	sst s8  }
0x11: {  	[smem:$0x3FB3] =	sst s9;
	s0 =	simm.s32 @!p0 $0x0  }
0x12: {  	s1 =	sld [smem:$0x3F99];
	s0 =	simm.s32 @p0 $0x1  }
0x13: {  	[smem:$0x3FB4] =	sst s0;
	s0 =	simm.s32 @!p1 $0x0  }
0x14: {  	s2 =	sld [smem:$0x3F98];
	s0 =	simm.s32 @p1 $0x1  }
0x15: {  	[smem:$0x3FB5] =	sst s0;
	s0 =	simm.s32 @!p2 $0x0  }
0x16: {  	s3 =	sld [smem:$0x3FDB];
	s0 =	simm.s32 @p2 $0x1  }
0x17: {  	s4 =	simm.s32 $0x1BF5;
	[smem:$0x3FB7] =	sst s0  }
0x18: {  	s0 =	sld [smem:$0x3F9A];
	_ =	swait.ge [sflag:s4], $0x0  }
0x19: {  	s7 =	sld [smem:$0x3F9B]  }
0x1a: {  	s8 =	sadd.s32 $0xFFFFE003, lr  }
0x1b: {  	s9 =	sadd.s32 $0xFFFFFEF7, lr;
	s5 =	simm.s32 $0xFFFFFFFF;
	p2 =	slt.u32 s8, $0xFFFFF086  }
0x1c: {  	p1 =	slt.u32 s9, $0xF7A;
	s5 =	simm.s32 @!p2 $0x0  }
0x1d: {  	s5 =	simm.s32 @p1 $0x1;
	p0 =	seq.s32 s7, s2  }
0x1e: {  	s7 =	smul.u32 @!p0 $0xF7A, s2;
	p2 =	seq.s32 @!p0 s5, $0x0  }
0x1f: {  	s9 =	smul.u32 $0xF7A, s1;
	s8 =	simm.s32 @!p0 $0x1BF5;
	p2 =	por !p2, p0  }
0x20: {  	[sflag:s8] =	ssyncset.s32 @!p0 $0xFFFFF086;
	s6 =	sadd.s32 @!p0 s3, s7;
	s7 =	simm.s32 @!p0 $0x108  }
0x21: {  	s3 =	sadd.s32 s3, s9;
	s6 =	sadd.s32 @!p0 $0x88, s6;
	s7 =	simm.s32 @p2 $0x1082  }
0x22: {  	[simem:s7], [sflag:s8] =	dma.local @!p0 [hbm:s6], $0xF7A  }
0x23: {  	s9 =	sor.u32 $0xD0000000, s2;
	s6 =	simm.s32 $0x108;
	_ =	swait.ge @!p0 [sflag:s8], $0x0  }
0x24: {  	s3 =	sadd.s32 $0x88, s3;
	s6 =	simm.s32 @!p1 $0x1082;
	[sflag:s4] =	ssyncset.s32 $0xFFFFF086  }
0x25: {  	[simem:s6], [sflag:s4] =	dma.local [hbm:s3], $0xF7A  }
0x26: {  	[smem:$0x3F9B] =	sst s1;
	(tag) =	ssettag s2;
	_ =	strace s9  }
0x27: {  	s1 =	sld [smem:$0x3FAB]  }
0x28: {  	s2 =	sld [smem:$0x3FAC]  }
0x29: {  	s4 =	sld [smem:$0x3FAE]  }
0x2a: {  	p0 =	seq.s32 s5, $0x0;
	s5 =	sld [smem:$0x3FAF]  }
0x2b: {  	s6 =	sld [smem:$0x3FB0]  }
0x2c: {  	s7 =	sld [smem:$0x3FB1]  }
0x2d: {  	s3 =	simm.s32 $0x108;
	s8 =	sld [smem:$0x3FB2]  }
0x2e: {  	s3 =	simm.s32 @!p0 $0x1082;
	s9 =	sld [smem:$0x3FB3]  }
0x2f: {  	lr =	sadd.s32 s0, s3;
	s0 =	sld [smem:$0x3FAA]  }
0x30: {  	s3 =	sld [smem:$0x3FAD]  }
0x31: {  	[smem:$0x3FB6] =	sst s10  }
0x32: {  	s10 =	sld [smem:$0x3FB4];
	_ =	sdelay $0x3  }
0x33: {  	p0 =	seq.s32 s10, $0x1;
	s10 =	sld [smem:$0x3FB6];
	_ =	sdelay $0x3  }
0x34: {  	[smem:$0x3FB6] =	sst s10  }
0x35: {  	s10 =	sld [smem:$0x3FB5];
	_ =	sdelay $0x3  }
0x36: {  	p1 =	seq.s32 s10, $0x1;
	s10 =	sld [smem:$0x3FB6];
	_ =	sdelay $0x3  }
0x37: {  	[smem:$0x3FB6] =	sst s10  }
0x38: {  	s10 =	sld [smem:$0x3FB7]  }
0x39: {  	_ = 	snop;
	(pc) =	sbr.ind lr, $3  }
0x3a: {  	_ = 	snop  }
0x3b: {  	_ = 	snop  }
0x3c: {  	p2 =	seq.s32 s10, $0x1;
	s10 =	sld [smem:$0x3FB6]  }
0x3d: {  	_ =	shalt  }
0x3e: {  	_ =	shalt  }
0x3f: {  	_ =	shalt  }
0x40: {  	_ =	shalt  }
0x41: {  	_ =	shalt  }
0x42: {  	_ =	shalt  }
0x43: {  	_ =	shalt  }
0x44: {  	_ =	shalt  }
0x45: {  	_ =	shalt  }
0x46: {  	_ =	shalt  }
0x47: {  	_ =	shalt  }
0x48: {  	_ =	shalt  }
0x49: {  	_ =	shalt  }
0x4a: {  	_ =	shalt  }
0x4b: {  	_ =	shalt  }
0x4c: {  	_ =	shalt  }
0x4d: {  	_ =	shalt  }
0x4e: {  	_ =	shalt  }
0x4f: {  	_ =	shalt  }
0x50: {  	_ =	shalt  }
0x51: {  	_ =	shalt  }
0x52: {  	_ =	shalt  }
0x53: {  	_ =	shalt  }
0x54: {  	_ =	shalt  }
0x55: {  	_ =	shalt  }
0x56: {  	_ =	shalt  }
0x57: {  	_ =	shalt  }
0x58: {  	_ =	shalt  }
0x59: {  	_ =	shalt  }
0x5a: {  	_ =	shalt  }
0x5b: {  	_ =	shalt  }
0x5c: {  	_ =	shalt  }
0x5d: {  	_ =	shalt  }
0x5e: {  	_ =	shalt  }
0x5f: {  	_ =	shalt  }
0x60: {  	_ =	shalt  }
0x61: {  	_ =	shalt  }
0x62: {  	_ =	shalt  }
0x63: {  	_ =	shalt  }
0x64: {  	_ =	shalt  }
0x65: {  	_ =	shalt  }
0x66: {  	_ =	shalt  }
0x67: {  	_ =	shalt  }
0x68: {  	_ =	shalt  }
0x69: {  	_ =	shalt  }
0x6a: {  	_ =	shalt  }
0x6b: {  	_ =	shalt  }
0x6c: {  	_ =	shalt  }
0x6d: {  	_ =	shalt  }
0x6e: {  	_ =	shalt  }
0x6f: {  	_ =	shalt  }
0x70: {  	_ =	shalt  }
0x71: {  	_ =	shalt  }
0x72: {  	_ =	shalt  }
0x73: {  	_ =	shalt  }
0x74: {  	_ =	shalt  }
0x75: {  	_ =	shalt  }
0x76: {  	_ =	shalt  }
0x77: {  	_ =	shalt  }
0x78: {  	_ =	shalt  }
0x79: {  	_ =	shalt  }
0x7a: {  	_ =	shalt  }
0x7b: {  	_ =	shalt  }
0x7c: {  	_ =	shalt  }
0x7d: {  	_ =	shalt  }
0x7e: {  	_ =	shalt  }
0x7f: {  	_ =	shalt  }
0x80: {  	_ =	shalt  }
0x81: {  	_ =	shalt  }
0x82: {  	_ =	shalt  }
0x83: {  	_ =	shalt  }
0x84: {  	_ =	shalt  }
0x85: {  	_ =	shalt  }
0x86: {  	_ =	shalt  }
0x87: {  	_ =	shalt  }
.Lfunc_end0:
.L_simem_size_0:
called_computation_lowered:
.L_overlay_start_0:
0x88: {  	s2 =	sld [smem:$0x3FD9]  }
0x89: {  	s3 =	sld [smem:$0x3FFE];
	_ =	sdelay $0x1  }
0x8a: {  	s1 =	srdreg.scid  }
0x8b: {  	s0 =	sand.u32 $0x1, s1  }
0x8c: {  	s17 =	sshll.u32 s0, $0xA;
	s2 =	sadd.s32 s3, s2  }
0x8d: {  	s2 =	sadd.s32 s2, s17  }
0x8e: {  	[smem:$0x3FC2] =	sst s2  }
0x8f: {  	_ = 	snop  }
0x90: {  	s2 =	sld [smem:$0x3FC9]  }
0x91: {  	s18 =	sld [smem:$0x3FC8]  }
0x92: {  	s4 =	sld [smem:$0x3FC6]  }
0x93: {  	s5 =	sld [smem:$0x3FC5]  }
0x94: {  	s6 =	sld [smem:$0x3FD0];
	(tm) =	ssettm $0x1  }
0x95: {  	s7 =	sld [smem:$0x3FFB];
	_ =	sdelay $0x3  }
0x96: {  	_ =	strace s7  }
0x97: {  	s7 =	sld [smem:$0x3FFC];
	_ =	sdelay $0x3  }
0x98: {  	_ =	strace s7  }
0x99: {  	s7 =	sld [smem:$0x3FFD];
	_ =	sdelay $0x3  }
0x9a: {  	_ =	strace s7  }
0x9b: {  	_ =	strace $0x8FFFFFFF  }
0x9c: {  	s19 =	sld [smem:$0x3FDB];
	_ =	sdelay $0x1  }
0x9d: {  	s8 =	simm.s32 $_scs_section_size  }
0x9e: {  	s9 =	simm.s32 $_size__tile_overlayer_lowered;
	s10 =	simm.s32 $_tile_overlayer_lowered  }
0x9f: {  	s22 =	simm.s32 $0x1BFF;
	s21 =	sshll.u32 s10, $0x1;
	s7 =	sadd.s32 s8, s19  }
0xa0: {  	s11 =	simm.s32 $0x0;
	s20 =	sshll.u32 s9, $0x1;
	s9 =	sadd.s32 s21, s7  }
0xa1: {  	[timem:s11], [sflag:s22] =	dma.local [hbm:s9], s20  }
0xa2: {  	_ =	swait.ge [sflag:s22], s20  }
0xa3: {  	s8 =	ssub.s32 $0x0, s20;
	[sflag:s22] =	ssyncset.done $0x0  }
0xa4: {  	[sflag:s22] =	ssyncadd.s32 s8;
	_ =	sdelay $0x1  }
0xa5: {  	s23 =	simm.s32 $0x1B8B  }
0xa6: {  	_ =	swait.ge [sflag:s23], $0x1  }
0xa7: {  	[sflag:s23] =	ssyncset.done $0x0  }
0xa8: {  	s25 =	simm.s32 $0x1B8E;
	s24 =	sld [smem:$0x3FFE];
	[sflag:s23] =	ssyncadd.s32 $0xFFFFFFFF  }
0xa9: {  	s26 =	simm.s32 $execute0_lowered;
	[smem:$0x3FD2] =	sst s25  }
0xaa: {  	s9 =	sshll.u32 s26, $0x1;
	_ =	strace $0x80000046;
	[dreg:$0x1] =	wrdreg $0xFFFFFFFF  }
0xab: {  	s28 =	simm.s32 $_size_execute0_lowered;
	s7 =	sadd.s32 s7, s9;
	[dreg:$0x0] =	wrdreg $0x0  }
0xac: {  	s9 =	sshll.u32 s28, $0x1;
	[dreg:$0x2] =	wrdreg s7  }
0xad: {  	[dreg:$0x3] =	wrdreg s9  }
0xae: {  	[dreg:$0x4] =	wrdreg $0xC0  }
0xaf: {  	_ =	task [dreg:s11], $0x5FFFF  }
0xb0: {  	[dreg:$0x1] =	wrdreg $0xFFFFFFFF  }
0xb1: {  	[dreg:$0x0] =	wrdreg $0x60  }
0xb2: {  	[dreg:$0x2] =	wrdreg s2  }
0xb3: {  	[dreg:$0x3] =	wrdreg s18  }
0xb4: {  	[dreg:$0x4] =	wrdreg s24  }
0xb5: {  	[dreg:$0x5] =	wrdreg s4  }
0xb6: {  	[dreg:$0x6] =	wrdreg s5  }
0xb7: {  	[dreg:$0x7] =	wrdreg s6  }
0xb8: {  	[dreg:$0x8] =	wrdreg $0x9  }
0xb9: {  	_ =	task.clear_ibuf [dreg:s11], $0x9FFFF;
	_ =	strace $0x90000046  }
0xba: {  	s29 =	simm.s32 $0x9;
	_ =	strace $0x80000048  }
0xbb: {  	_ =	swait.ge [sflag:s29], $0x1  }
0xbc: {  	[sflag:s29] =	ssyncadd.s32 $0xFFFFFFFF  }
0xbd: {  	_ =	strace $0x90000048  }
0xbe: {  	_ =	sfence  }
0xbf: {  	s30 =	sld [smem:$0x0];
	_ =	sdelay $0x2  }
0xc0: {  	s31 =	sshll.u32 s1, $0xD;
	s1 =	sshrl.u32 s1, $0x2  }
0xc1: {  	s3 =	sand.u32 $0x4000, s31;
	s1 =	sadd.s32 s1, s30  }
0xc2: {  	s0 =	sor.u32 s3, s0;
	s1 =	sshll.u32 s1, $0x11  }
0xc3: {  	s0 =	sor.u32 s1, s0  }
0xc4: {  	s0 =	sadd.s32 $0x8F2B, s0  }
0xc5: {  	[sflag:s0] =	ssyncadd.remote.s32 $0x1  }
0xc6: {  	_ =	sfence.sel $0xFFFF  }
0xc7: {  	[dreg:$0x0] =	wrdreg $0xFFFFFFFF;
	(pc) =	sbr.abs _section_cstart, $3  }
0xc8: {  	[dreg:$0x1] =	wrdreg $0xFFFFFFFF  }
0xc9: {  	_ =	task.clear_ibuf [dreg:s11], $0x2FFFF;
	_ =	strace $0x9FFFFFFF  }
0xca: {  	(tm) =	ssettm $0x7FFFFFFF  }
0xcb: {  	_ =	shalt  }
tec
execute0_lowered:
.L_overlay_start_1:
0x0: {  	(tag) =	ssettag $0x1  }
0x1: {  	s7 =	rddreg [dreg:$0x0]  }
0x2: {  	s8 =	rddreg [dreg:$0x1]  }
0x3: {  	s6 =	rddreg [dreg:$0x2]  }
0x4: {  	s1 =	rddreg [dreg:$0x3]  }
0x5: {  	s2 =	rddreg [dreg:$0x4]  }
0x6: {  	s9 =	rddreg [dreg:$0x5]  }
0x7: {  	s0 =	rddreg [dreg:$0x6]  }
0x8: {  	s4 =	simm.s32 $0x0;
	s5 =	srdreg.scid;
	s3 =	stileid.u32  }
0x9: {  	s14 =	simm.s32 $0x600;
	s15 =	simm.s32 $0x800;
	s16 =	simm.s32 $0xA00  }
0xa: {  	s17 =	simm.s32 $0x1;
	s18 =	simm.s32 $0x2;
	s19 =	simm.s32 $0x3  }
0xb: {  	s20 =	simm.s32 $0x4;
	s21 =	simm.s32 $0xC00;
	s22 =	simm.s32 $0x0  }
0xc: {  	[smem:$0x7FF] =	sst s4;
	s5 =	sand.u32 $0x1, s5;
	s11 =	sshll.u32 s3, $0x7  }
0xd: {  	_ =	strace $0x80000047;
	s10 =	ssub.s32 $0x2, s5;
	s12 =	sshll.u32 s5, $0x6  }
0xe: {  	s5 =	sadd.s32 $0x3C00, s6;
	s6 =	sadd.s32 $0xA00, s6;
	s13 =	sshrl.u32 s10, $0x1  }
0xf: {  	s11 =	sor.u32 s12, s11;
	s12 =	simm.s32 $0x200;
	s10 =	ssub.s32 s10, s13  }
0x10: {  	s7 =	sadd.s32 s7, s11;
	s8 =	sadd.s32 s8, s11;
	s9 =	sadd.s32 s9, s11  }
0x11: {  	s11 =	simm.s32 $0x5;
	s13 =	simm.s32 $0x400;
	s10 =	smax.u32 s10, $0x1  }
.LBB2_1:
0x12: {  	[tilespmem:s4], [sflag:$0x5] =	stream.linear.gather [hbm4b:s7+s4], $0x200, $0x38;
	[tilespmem:$0xE00] =	vst v63  }
0x13: {  	_ =	swait.ge [sflag:s11], $0x200  }
0x14: {  	[sflag:s11] =	ssyncset.done $0x0  }
0x15: {  	[sflag:s11] =	ssyncadd.s32 $0xFFFFFE00  }
0x16: {  	[tilespmem:s12], [sflag:$0x5] =	stream.linear.gather [hbm4b:s8+s4], $0x200, $0x38;
	[tilespmem:$0xE00] =	vst v63  }
0x17: {  	_ =	swait.ge [sflag:s11], $0x200  }
0x18: {  	[sflag:s11] =	ssyncset.done $0x0  }
0x19: {  	[sflag:s11] =	ssyncadd.s32 $0xFFFFFE00  }
0x1a: {  	[tilespmem:s13], [sflag:$0x1] =	stream.indirect.gather [hbm4b:s5+s12], $0x1, s4, s12, $0xb8;
	[tilespmem:$0xE00] =	vst v63  }
0x1b: {  	_ = 	snop  }
0x1c: {  	[tilespmem:s14], [sflag:$0x2] =	stream.indirect.gather [hbm4b:s6+s12], $0x1, s12, s12, $0xb8;
	[tilespmem:$0xE00] =	vst v63  }
0x1d: {  	_ = 	snop  }
0x1e: {  	[tilespmem:s15], [sflag:$0x3] =	stream.indirect.gather [hbm4b:s1+s12], $0x1, s12, s12, $0xb8;
	[tilespmem:$0xE00] =	vst v63  }
0x1f: {  	_ = 	snop  }
0x20: {  	[tilespmem:s16], [sflag:$0x4] =	stream.indirect.gather [hbm4b:s2+s12], $0x1, s12, s12, $0xb8;
	[tilespmem:$0xE00] =	vst v63  }
0x21: {  	_ =	swait.ge [sflag:s17], $0x200  }
0x22: {  	[sflag:s17] =	ssyncset.done $0x0  }
0x23: {  	[sflag:s17] =	ssyncadd.s32 $0xFFFFFE00  }
0x24: {  	_ =	swait.ge [sflag:s18], $0x200  }
0x25: {  	[sflag:s18] =	ssyncset.done $0x0  }
0x26: {  	[sflag:s18] =	ssyncadd.s32 $0xFFFFFE00  }
0x27: {  	_ =	swait.ge [sflag:s19], $0x200  }
0x28: {  	[sflag:s19] =	ssyncset.done $0x0  }
0x29: {  	[sflag:s19] =	ssyncadd.s32 $0xFFFFFE00  }
0x2a: {  	_ =	swait.ge [sflag:s20], $0x200  }
0x2b: {  	[sflag:s20] =	ssyncset.done $0x0  }
0x2c: {  	s26 =	simm.s32 $0x0;
	[sflag:s20] =	ssyncadd.s32 $0xFFFFFE00  }
0x2d: {  	v0 =	vld [tilespmem:s26+$0xA00]  }
0x2e: {  	v1 =	vld [tilespmem:s26+$0x800];
	_ =	sdelay $0x3  }
0x2f: {  	v0 =	vsub.f32 $0.0e+00, v0  }
0x30: {  	v1 =	vsub.f32 $0.0e+00, v1  }
0x31: {  	v0 =	vmul.f32 $1.442695020e+00, v0  }
0x32: {  	v1 =	vmul.f32 $1.442695020e+00, v1  }
0x33: {  	(erf) = vpow2.f32 v0  }
0x34: {  	(erf) = vpow2.f32 v1;
	_ =	sdelay $0x7  }
0x35: {  	v0 =	vpop (erf)  }
0x36: {  	v1 =	vpop (erf);
	v0 =	vadd.f32 $1.000000000e+00, v0  }
0x37: {  	v1 =	vadd.f32 $1.000000000e+00, v1  }
0x38: {  	(erf) = vrcp.f32 v0  }
0x39: {  	(erf) = vrcp.f32 v1  }
0x3a: {  	s24 =	simm.s32 $0x10  }
0x3b: {  	v0 =	vld [tilespmem:s24+$0xA00];
	_ =	sdelay $0x1  }
0x3c: {  	v1 =	vld [tilespmem:s24+$0x800];
	_ =	sdelay $0x2  }
0x3d: {  	v0 =	vsub.f32 $0.0e+00, v0  }
0x3e: {  	v2 =	vpop (erf)  }
0x3f: {  	v1 =	vsub.f32 $0.0e+00, v1;
	v0 =	vmul.f32 $1.442695020e+00, v0;
	v3 =	vpop (erf)  }
0x40: {  	v2 =	vmul.f32 $4.000000060e-01, v2;
	v3 =	vmul.f32 $4.000000060e-01, v3  }
0x41: {  	v1 =	vmul.f32 $1.442695020e+00, v1  }
0x42: {  	(erf) = vpow2.f32 v0;
	v2 =	vmax.f32 v2, $1.000000000e-30;
	v3 =	vsub.f32 $1.000000000e+00, v3  }
0x43: {  	v0 =	vand.u32 $0x7FFFFF, v2  }
0x44: {  	(erf) = vpow2.f32 v1;
	v0 =	vor.u32 $0x3F800000, v0;
	v1 =	vand.u32 $0x7FFFFF, v3  }
0x45: {  	v4 =	vadd.f32 $1.000000000e+00, v0;
	v1 =	vor.u32 $0x3F800000, v1  }
0x46: {  	v5 =	vadd.f32 $1.000000000e+00, v1  }
0x47: {  	(erf) = vrcp.f32 v4  }
0x48: {  	s23 =	simm.s32 $0x20;
	(erf) = vrcp.f32 v5  }
0x49: {  	v7 =	vld [tilespmem:s23+$0xA00]  }
0x4a: {  	v4 =	vld [tilespmem:s26+$0x400]  }
0x4b: {  	v6 =	vpop (erf);
	v5 =	vld [tilespmem:s26+$0x600]  }
0x4c: {  	v9 =	vld [tilespmem:s23+$0x800];
	v6 =	vadd.f32 $1.000000000e+00, v6;
	_ =	sdelay $0x1  }
0x4d: {  	v8 =	vpop (erf);
	(erf) = vrcp.f32 v6  }
0x4e: {  	v0 =	vadd.f32 $-1.000000000e+00, v0;
	v8 =	vadd.f32 $1.000000000e+00, v8  }
0x4f: {  	v1 =	vadd.f32 $-1.000000000e+00, v1;
	v6 =	vsub.f32 $0.0e+00, v7;
	v4 =	vandn.u32 v5, v4;
	v5 =	vpop (erf)  }
0x50: {  	v7 =	vsub.f32 $0.0e+00, v9;
	(erf) = vrcp.f32 v8;
	v8 =	vshrl.u32 v4, $0x1;
	v9 =	vpop (erf)  }
0x51: {  	v8 =	vand.u32 $0x55555555, v8;
	v5 =	vmul.f32 v5, v0;
	v9 =	vmul.f32 v9, v1  }
0x52: {  	v0 =	vmul.f32 $1.442695020e+00, v7;
	v4 =	vsub.s32 v4, v8;
	v1 =	vmul.f32 $1.442695020e+00, v6  }
0x53: {  	v6 =	vshrl.u32 v4, $0x2;
	v8 =	vmul.f32 v5, v5;
	v7 =	vmul.f32 v9, v9  }
0x54: {  	(erf) = vpow2.f32 v1;
	v1 =	vand.u32 $0x33333333, v4;
	v4 =	vand.u32 $0x33333333, v6  }
0x55: {  	v1 =	vadd.s32 v1, v4;
	v4 =	vmul.f32 $1.111111120e-01, v7  }
0x56: {  	v10 =	vpop (erf);
	v6 =	vmul.f32 $1.111111120e-01, v8;
	(erf) = vpow2.f32 v0;
	v0 =	vshrl.u32 v1, $0x4  }
0x57: {  	v0 =	vadd.s32 v1, v0;
	v1 =	vadd.f32 $1.428571490e-01, v4  }
0x58: {  	v2 =	vshra.s32 v2, $0x17;
	v4 =	vadd.f32 $1.428571490e-01, v6  }
0x59: {  	v2 =	vadd.s32 $0xFFFFFF81, v2;
	v10 =	vmul.f32 $4.000000060e-01, v10;
	v12 =	vmul.f32 v1, v7  }
0x5a: {  	v3 =	vshra.s32 v3, $0x17;
	v2 =	vcvt.s32.f32 v2;
	v11 =	vpop (erf);
	v4 =	vmul.f32 v4, v8  }
0x5b: {  	v6 =	vmul.f32 $4.000000060e-01, v11;
	v1 =	vmax.f32 v10, $1.000000000e-30;
	v10 =	vadd.f32 $2.000000030e-01, v12  }
0x5c: {  	v3 =	vadd.s32 $0xFFFFFF81, v3;
	v0 =	vand.u32 $0xF0F0F0F, v0;
	v4 =	vadd.f32 $2.000000030e-01, v4  }
0x5d: {  	v11 =	vmul.u32 $0x1010101, v0;
	v0 =	vsub.f32 $1.000000000e+00, v6;
	v10 =	vmul.f32 v10, v7  }
0x5e: {  	v3 =	vcvt.s32.f32 v3;
	v6 =	vand.u32 $0x7FFFFF, v1;
	v4 =	vmul.f32 v4, v8  }
0x5f: {  	v6 =	vor.u32 $0x3F800000, v6;
	v60 =	vand.u32 $0x7FFFFF, v0;
	v10 =	vadd.f32 $3.333333430e-01, v10  }
0x60: {  	v13 =	vadd.f32 $1.000000000e+00, v6;
	v12 =	vor.u32 $0x3F800000, v60;
	v4 =	vadd.f32 $3.333333430e-01, v4  }
0x61: {  	v2 =	vmul.f32 $6.931471820e-01, v2;
	v14 =	vadd.f32 $1.000000000e+00, v12;
	v7 =	vmul.f32 v10, v7  }
0x62: {  	s25 =	simm.s32 $0x30;
	v61 =	vld [tilespmem:s24+$0x400];
	v9 =	vadd.f32 v9, v9;
	(erf) = vrcp.f32 v13;
	v4 =	vmul.f32 v4, v8  }
0x63: {  	v15 =	vld [tilespmem:s25+$0x800];
	v11 =	vshrl.u32 v11, $0x1;
	(erf) = vrcp.f32 v14;
	v7 =	vadd.f32 $1.000000000e+00, v7  }
0x64: {  	v62 =	vld [tilespmem:s25+$0xA00];
	v5 =	vadd.f32 v5, v5;
	v11 =	vand.u32 $0x7F800000, v11;
	v10 =	vpop (erf);
	v4 =	vadd.f32 $1.000000000e+00, v4  }
0x65: {  	v3 =	vmul.f32 $6.931471820e-01, v3;
	v11 =	vsub.s32 $0x3F800000, v11;
	v8 =	vld [tilespmem:s24+$0x600];
	v16 =	vpop (erf);
	v7 =	vmul.f32 v7, v9  }
0x66: {  	v10 =	vadd.f32 $1.000000000e+00, v10;
	v4 =	vmul.f32 v4, v5;
	v5 =	vadd.f32 $1.000000000e+00, v16  }
0x67: {  	v9 =	vsub.f32 $1.000000000e+00, v11;
	v3 =	vadd.f32 v7, v3  }
0x68: {  	(erf) = vrcp.f32 v10;
	v2 =	vadd.f32 v4, v2;
	v7 =	vsub.f32 $0.0e+00, v15  }
0x69: {  	v4 =	vsub.f32 $0.0e+00, v62;
	(erf) = vrcp.f32 v5  }
0x6a: {  	v5 =	vandn.u32 v8, v61;
	v3 =	vmul.f32 v11, v3;
	v2 =	vmul.f32 v2, v9  }
0x6b: {  	v10 =	vadd.f32 $-1.000000000e+00, v12;
	v8 =	vpop (erf);
	v9 =	vshrl.u32 v5, $0x1;
	v11 =	vadd.f32 $-1.000000000e+00, v6  }
0x6c: {  	v6 =	vmul.f32 $1.442695020e+00, v7;
	v4 =	vmul.f32 $1.442695020e+00, v4;
	v7 =	vpop (erf);
	v63 =	vadd.f32 v2, v3  }
0x6d: {  	v9 =	vand.u32 $0x55555555, v9;
	v2 =	vmul.f32 v8, v11;
	v3 =	vmul.f32 v7, v10  }
0x6e: {  	(erf) = vpow2.f32 v4;
	v7 =	vsub.s32 v5, v9;
	v8 =	vmul.f32 $1.442695020e+00, v63  }
0x6f: {  	v9 =	vshrl.u32 v7, $0x2;
	v4 =	vmul.f32 v2, v2;
	v5 =	vmul.f32 v3, v3  }
0x70: {  	v10 =	vand.u32 $0x33333333, v7;
	v9 =	vand.u32 $0x33333333, v9;
	(erf) = vpow2.f32 v8  }
0x71: {  	s28 =	simm.s32 $0x100;
	v7 =	vpop (erf);
	v8 =	vadd.s32 v10, v9;
	v9 =	vmul.f32 $1.111111120e-01, v4;
	v10 =	vmul.f32 $1.111111120e-01, v5  }
.LBB2_2:
0x72: {  	p0 =	sne.s32 s28, $0x7C0;
	(erf) = vpow2.f32 v6;
	v6 =	vpop (erf);
	v11 =	vshrl.u32 v8, $0x4  }
0x73: {  	v8 =	vadd.s32 v8, v11;
	v10 =	vadd.f32 $1.428571490e-01, v10;
	v9 =	vadd.f32 $1.428571490e-01, v9  }
0x74: {  	v12 =	vmul.f32 $4.000000060e-01, v7;
	v6 =	vmul.f32 $4.000000060e-01, v6;
	v8 =	vand.u32 $0xF0F0F0F, v8  }
0x75: {  	v8 =	vmul.u32 $0x1010101, v8;
	v10 =	vmul.f32 v10, v5;
	v9 =	vmul.f32 v9, v4  }
0x76: {  	v11 =	vshra.s32 v1, $0x17;
	v1 =	vmax.f32 v12, $1.000000000e-30;
	v6 =	vsub.f32 $1.000000000e+00, v6  }
0x77: {  	v12 =	vand.u32 $0x7FFFFF, v1;
	v7 =	vpop (erf);
	v10 =	vadd.f32 $2.000000030e-01, v10;
	v9 =	vadd.f32 $2.000000030e-01, v9  }
0x78: {  	v13 =	vshra.s32 v0, $0x17;
	v11 =	vadd.s32 $0xFFFFFF81, v11;
	v12 =	vor.u32 $0x3F800000, v12;
	v0 =	vmovc v6  }
0x79: {  	v6 =	vand.u32 $0x7FFFFF, v0;
	v10 =	vmul.f32 v10, v5;
	v9 =	vmul.f32 v9, v4;
	v14 =	vpop (erf)  }
0x7a: {  	v13 =	vadd.s32 $0xFFFFFF81, v13;
	v11 =	vcvt.s32.f32 v11;
	v15 =	vadd.f32 $1.000000000e+00, v12;
	[tilespmem:s26+$0xC00] =	vst v14;
	s26 =	smov.u32 s24;
	s24 =	smov.u32 s23;
	s23 =	smov.u32 s25  }
0x7b: {  	v6 =	vor.u32 $0x3F800000, v6;
	v14 =	vpop (erf);
	v10 =	vadd.f32 $3.333333430e-01, v10;
	v9 =	vadd.f32 $3.333333430e-01, v9  }
0x7c: {  	v13 =	vcvt.s32.f32 v13;
	v16 =	vadd.f32 $1.000000000e+00, v6;
	(erf) = vrcp.f32 v15  }
0x7d: {  	v8 =	vshrl.u32 v8, $0x1;
	v15 =	vld [tilespmem:s24+$0x400];
	v5 =	vmul.f32 v10, v5;
	v4 =	vmul.f32 v9, v4  }
0x7e: {  	v3 =	vadd.f32 v3, v3;
	v2 =	vadd.f32 v2, v2;
	s25 =	sshra.s32 s28, $0x2;
	v9 =	vld [tilespmem:s24+$0x600];
	(erf) = vrcp.f32 v16  }
0x7f: {  	v8 =	vand.u32 $0x7F800000, v8;
	v10 =	vld [tilespmem:s25+$0xA00];
	v5 =	vadd.f32 $1.000000000e+00, v5;
	v4 =	vadd.f32 $1.000000000e+00, v4  }
0x80: {  	v13 =	vmul.f32 $6.931471820e-01, v13;
	v11 =	vmul.f32 $6.931471820e-01, v11;
	v7 =	vadd.f32 $1.000000000e+00, v7;
	v16 =	vld [tilespmem:s25+$0x800]  }
0x81: {  	v8 =	vsub.s32 $0x3F800000, v8;
	v3 =	vmul.f32 v5, v3;
	v2 =	vmul.f32 v4, v2  }
0x82: {  	v4 =	vadd.f32 $1.000000000e+00, v14;
	v5 =	vsub.f32 $1.000000000e+00, v8  }
0x83: {  	(erf) = vrcp.f32 v7;
	v3 =	vadd.f32 v3, v13;
	v2 =	vadd.f32 v2, v11  }
0x84: {  	v7 =	vsub.f32 $0.0e+00, v10;
	(erf) = vrcp.f32 v4;
	v4 =	vandn.u32 v9, v15  }
0x85: {  	v13 =	vsub.f32 $0.0e+00, v16;
	v10 =	vpop (erf);
	v3 =	vmul.f32 v8, v3;
	v2 =	vmul.f32 v2, v5  }
0x86: {  	v11 =	vadd.f32 $-1.000000000e+00, v12;
	v5 =	vshrl.u32 v4, $0x1;
	v8 =	vadd.f32 $-1.000000000e+00, v6  }
0x87: {  	v7 =	vmul.f32 $1.442695020e+00, v7;
	v6 =	vmul.f32 $1.442695020e+00, v13;
	v9 =	vpop (erf);
	v12 =	vadd.f32 v2, v3  }
.Ltmp0:
0x88: {  	v5 =	vand.u32 $0x55555555, v5;
	v2 =	vmul.f32 v10, v11;
	v3 =	vmul.f32 v9, v8;
	(pc) =	sbr.rel @p0 .LBB2_2-.Ltmp0, $4  }
0x89: {  	(erf) = vpow2.f32 v7;
	v7 =	vsub.s32 v4, v5;
	v8 =	vmul.f32 $1.442695020e+00, v12  }
0x8a: {  	v4 =	vmul.f32 v2, v2;
	v9 =	vshrl.u32 v7, $0x2;
	v5 =	vmul.f32 v3, v3  }
0x8b: {  	v10 =	vand.u32 $0x33333333, v7;
	v9 =	vand.u32 $0x33333333, v9;
	(erf) = vpow2.f32 v8  }
0x8c: {  	s28 =	sadd.s32 $0x40, s28;
	v7 =	vpop (erf);
	v8 =	vadd.s32 v10, v9;
	v10 =	vmul.f32 $1.111111120e-01, v5;
	v9 =	vmul.f32 $1.111111120e-01, v4  }
0x8d: {  	(erf) = vpow2.f32 v6  }
0x8e: {  	v61 =	vpop (erf);
	v11 =	vshrl.u32 v8, $0x4  }
0x8f: {  	v7 =	vmul.f32 $4.000000060e-01, v7;
	v10 =	vadd.f32 $1.428571490e-01, v10;
	v6 =	vmul.f32 $4.000000060e-01, v61  }
0x90: {  	v1 =	vshra.s32 v1, $0x17;
	v0 =	vshra.s32 v0, $0x17;
	v9 =	vadd.f32 $1.428571490e-01, v9  }
0x91: {  	v7 =	vmax.f32 v7, $1.000000000e-30;
	v10 =	vmul.f32 v10, v5;
	v6 =	vsub.f32 $1.000000000e+00, v6  }
0x92: {  	v8 =	vadd.s32 v8, v11;
	v9 =	vmul.f32 v9, v4;
	v62 =	vand.u32 $0x7FFFFF, v7  }
0x93: {  	v11 =	vor.u32 $0x3F800000, v62;
	v10 =	vadd.f32 $2.000000030e-01, v10;
	v12 =	vand.u32 $0x7FFFFF, v6  }
0x94: {  	v13 =	vpop (erf);
	v9 =	vadd.f32 $2.000000030e-01, v9;
	v14 =	vadd.f32 $1.000000000e+00, v11;
	v12 =	vor.u32 $0x3F800000, v12  }
0x95: {  	v3 =	vadd.f32 v3, v3;
	v10 =	vmul.f32 v10, v5;
	v15 =	vpop (erf);
	v16 =	vadd.f32 $1.000000000e+00, v12  }
0x96: {  	v13 =	vadd.f32 $1.000000000e+00, v13;
	v9 =	vmul.f32 v9, v4;
	(erf) = vrcp.f32 v14;
	v63 =	vpop (erf)  }
0x97: {  	v1 =	vadd.s32 $0xFFFFFF81, v1;
	(erf) = vrcp.f32 v16;
	v14 =	vadd.f32 $1.000000000e+00, v63  }
0x98: {  	v10 =	vadd.f32 $3.333333430e-01, v10;
	v9 =	vadd.f32 $3.333333430e-01, v9;
	(erf) = vrcp.f32 v13  }
0x99: {  	v0 =	vadd.s32 $0xFFFFFF81, v0;
	v8 =	vand.u32 $0xF0F0F0F, v8;
	(erf) = vrcp.f32 v14  }
0x9a: {  	v8 =	vmul.u32 $0x1010101, v8;
	v13 =	vmul.f32 v10, v5;
	v14 =	vmul.f32 v9, v4  }
0x9b: {  	v2 =	vadd.f32 v2, v2;
	v0 =	vcvt.s32.f32 v0;
	v1 =	vcvt.s32.f32 v1  }
0x9c: {  	v8 =	vshrl.u32 v8, $0x1;
	v5 =	vadd.f32 $1.000000000e+00, v13;
	v4 =	vadd.f32 $1.000000000e+00, v14  }
0x9d: {  	v0 =	vmul.f32 $6.931471820e-01, v0;
	v1 =	vmul.f32 $6.931471820e-01, v1;
	v17 =	vand.u32 $0x7F800000, v8  }
0x9e: {  	v18 =	vsub.s32 $0x3F800000, v17;
	v3 =	vmul.f32 v5, v3;
	v2 =	vmul.f32 v4, v2  }
0x9f: {  	v5 =	vsub.f32 $1.000000000e+00, v18;
	v19 =	vpop (erf)  }
0xa0: {  	v0 =	vadd.f32 v3, v0;
	v1 =	vadd.f32 v2, v1;
	v20 =	vpop (erf)  }
0xa1: {  	v22 =	vpop (erf)  }
0xa2: {  	v0 =	vmul.f32 v18, v0;
	v1 =	vmul.f32 v1, v5;
	v25 =	vpop (erf)  }
0xa3: {  	v7 =	vshra.s32 v7, $0x17;
	v4 =	vmul.f32 $4.000000060e-01, v22;
	v10 =	vmul.f32 $4.000000060e-01, v25  }
0xa4: {  	v7 =	vadd.s32 $0xFFFFFF81, v7;
	v11 =	vadd.f32 $-1.000000000e+00, v11;
	v6 =	vshra.s32 v6, $0x17  }
0xa5: {  	[tilespmem:s26+$0xC00] =	vst v15;
	v0 =	vadd.f32 v1, v0;
	v4 =	vmax.f32 v4, $1.000000000e-30;
	v27 =	vsub.f32 $1.000000000e+00, v10  }
0xa6: {  	v7 =	vcvt.s32.f32 v7;
	v6 =	vadd.s32 $0xFFFFFF81, v6;
	v15 =	vld [tilespmem:s23+$0x400];
	v28 =	vand.u32 $0x7FFFFF, v4  }
0xa7: {  	v16 =	vld [tilespmem:s23+$0x600];
	v0 =	vmul.f32 $1.442695020e+00, v0;
	v10 =	vor.u32 $0x3F800000, v28;
	v29 =	vand.u32 $0x7FFFFF, v27  }
0xa8: {  	v24 =	vadd.f32 $-1.000000000e+00, v12;
	v30 =	vadd.f32 $1.000000000e+00, v10;
	v12 =	vor.u32 $0x3F800000, v29  }
0xa9: {  	v6 =	vcvt.s32.f32 v6;
	(erf) = vpow2.f32 v0;
	v32 =	vadd.f32 $1.000000000e+00, v12  }
0xaa: {  	v3 =	vmul.f32 v19, v11;
	(erf) = vrcp.f32 v30  }
0xab: {  	v2 =	vmul.f32 v20, v24;
	(erf) = vrcp.f32 v32  }
0xac: {  	v7 =	vmul.f32 $6.931471820e-01, v7;
	v21 =	vandn.u32 v16, v15;
	v11 =	vmul.f32 v3, v3  }
0xad: {  	v6 =	vmul.f32 $6.931471820e-01, v6;
	v23 =	vshrl.u32 v21, $0x1;
	v9 =	vmul.f32 v2, v2  }
0xae: {  	v26 =	vand.u32 $0x55555555, v23;
	v3 =	vadd.f32 v3, v3;
	v34 =	vmul.f32 $1.111111120e-01, v11  }
0xaf: {  	v2 =	vadd.f32 v2, v2;
	v1 =	vsub.s32 v21, v26;
	v31 =	vmul.f32 $1.111111120e-01, v9  }
0xb0: {  	v33 =	vshrl.u32 v1, $0x2;
	v38 =	vadd.f32 $1.428571490e-01, v34;
	v4 =	vshra.s32 v4, $0x17  }
0xb1: {  	v35 =	vand.u32 $0x33333333, v1;
	v36 =	vand.u32 $0x33333333, v33;
	v4 =	vadd.s32 $0xFFFFFF81, v4  }
0xb2: {  	v37 =	vadd.f32 $1.428571490e-01, v31;
	v8 =	vmul.f32 v38, v11;
	v10 =	vadd.f32 $-1.000000000e+00, v10;
	v40 =	vpop (erf)  }
0xb3: {  	v4 =	vcvt.s32.f32 v4;
	v0 =	vadd.s32 v35, v36;
	v12 =	vadd.f32 $-1.000000000e+00, v12;
	v41 =	vpop (erf)  }
0xb4: {  	v5 =	vshra.s32 v27, $0x17;
	v1 =	vmul.f32 v37, v9;
	v8 =	vadd.f32 $2.000000030e-01, v8;
	[tilespmem:s24+$0xC00] =	vst v40;
	v43 =	vpop (erf)  }
0xb5: {  	v5 =	vadd.s32 $0xFFFFFF81, v5;
	v13 =	vld [tilespmem:s25+$0x400];
	v10 =	vmul.f32 v41, v10;
	v12 =	vmul.f32 v43, v12  }
0xb6: {  	v4 =	vmul.f32 $6.931471820e-01, v4;
	v5 =	vcvt.s32.f32 v5;
	v1 =	vadd.f32 $2.000000030e-01, v1;
	v42 =	vld [tilespmem:s25+$0x600]  }
0xb7: {  	v39 =	vshrl.u32 v0, $0x4;
	v45 =	vmul.f32 v10, v10;
	v44 =	vmul.f32 v12, v12  }
0xb8: {  	v0 =	vadd.s32 v0, v39;
	v8 =	vmul.f32 v8, v11;
	v1 =	vmul.f32 v1, v9  }
0xb9: {  	v0 =	vand.u32 $0xF0F0F0F, v0;
	v47 =	vmul.f32 $1.111111120e-01, v45;
	v46 =	vmul.f32 $1.111111120e-01, v44  }
0xba: {  	v0 =	vmul.u32 $0x1010101, v0;
	v5 =	vmul.f32 $6.931471820e-01, v5;
	v1 =	vadd.f32 $3.333333430e-01, v1  }
0xbb: {  	v13 =	vandn.u32 v42, v13;
	v15 =	vadd.f32 $1.428571490e-01, v47;
	v14 =	vadd.f32 $1.428571490e-01, v46  }
0xbc: {  	v8 =	vadd.f32 $3.333333430e-01, v8;
	v1 =	vmul.f32 v1, v9;
	v48 =	vshrl.u32 v13, $0x1  }
0xbd: {  	v16 =	vand.u32 $0x55555555, v48;
	v15 =	vmul.f32 v15, v45;
	v14 =	vmul.f32 v14, v44  }
0xbe: {  	v0 =	vshrl.u32 v0, $0x1;
	v1 =	vadd.f32 $1.000000000e+00, v1;
	v13 =	vsub.s32 v13, v16  }
0xbf: {  	v16 =	vshrl.u32 v13, $0x2;
	v52 =	vadd.f32 $2.000000030e-01, v15;
	v51 =	vadd.f32 $2.000000030e-01, v14  }
0xc0: {  	v1 =	vmul.f32 v1, v2;
	v49 =	vand.u32 $0x33333333, v13;
	v50 =	vand.u32 $0x33333333, v16  }
0xc1: {  	v2 =	vadd.s32 v49, v50;
	v14 =	vmul.f32 v52, v45;
	v13 =	vmul.f32 v51, v44  }
0xc2: {  	v8 =	vmul.f32 v8, v11;
	v0 =	vand.u32 $0x7F800000, v0;
	v54 =	vshrl.u32 v2, $0x4  }
0xc3: {  	v2 =	vadd.s32 v2, v54;
	v56 =	vadd.f32 $3.333333430e-01, v14;
	v55 =	vadd.f32 $3.333333430e-01, v13  }
0xc4: {  	v8 =	vadd.f32 $1.000000000e+00, v8;
	v1 =	vadd.f32 v1, v6;
	v2 =	vand.u32 $0xF0F0F0F, v2  }
0xc5: {  	v2 =	vmul.u32 $0x1010101, v2;
	v57 =	vmul.f32 v56, v45;
	v6 =	vmul.f32 v55, v44  }
0xc6: {  	v0 =	vsub.s32 $0x3F800000, v0;
	v10 =	vadd.f32 v10, v10;
	v58 =	vadd.f32 v12, v12  }
0xc7: {  	v2 =	vshrl.u32 v2, $0x1;
	v9 =	vadd.f32 $1.000000000e+00, v57;
	v6 =	vadd.f32 $1.000000000e+00, v6  }
0xc8: {  	v53 =	vsub.f32 $1.000000000e+00, v0;
	v3 =	vmul.f32 v8, v3;
	v2 =	vand.u32 $0x7F800000, v2  }
0xc9: {  	v2 =	vsub.s32 $0x3F800000, v2;
	v9 =	vmul.f32 v9, v10;
	v6 =	vmul.f32 v6, v58  }
0xca: {  	v3 =	vadd.f32 v3, v7;
	v59 =	vsub.f32 $1.000000000e+00, v2  }
0xcb: {  	v4 =	vadd.f32 v9, v4;
	v5 =	vadd.f32 v6, v5  }
0xcc: {  	v60 =	vmul.f32 v3, v53;
	v0 =	vmul.f32 v0, v1  }
0xcd: {  	v61 =	vmul.f32 v4, v59;
	v2 =	vmul.f32 v2, v5  }
0xce: {  	v0 =	vadd.f32 v60, v0  }
0xcf: {  	v62 =	vadd.f32 v61, v2  }
0xd0: {  	v0 =	vmul.f32 $1.442695020e+00, v0  }
0xd1: {  	v1 =	vmul.f32 $1.442695020e+00, v62  }
0xd2: {  	(erf) = vpow2.f32 v0  }
0xd3: {  	(erf) = vpow2.f32 v1;
	_ =	sdelay $0x7  }
0xd4: {  	s22 =	sadd.s32 $0x1, s22;
	v0 =	vpop (erf)  }
0xd5: {  	p0 =	sne.s32 s22, s10;
	[tilespmem:s23+$0xC00] =	vst v0;
	v63 =	vpop (erf)  }
.Ltmp1:
0xd6: {  	[tilespmem:s25+$0xC00] =	vst v63;
	(pc) =	sbr.rel @p0 .LBB2_1-.Ltmp1, $4  }
0xd7: {  	[hbm4b:s9+s4] =	stream.linear.scatter [tilespmem:s21], [sflag:$0x5], $0x200, $0x38;
	[tilespmem:$0xE00] =	vst v63  }
0xd8: {  	_ =	swait.ge [sflag:s11], $0x200  }
0xd9: {  	[sflag:s11] =	ssyncset.done $0x0  }
0xda: {  	[sflag:s11] =	ssyncadd.s32 $0xFFFFFE00  }
0xdb: {  	_ =	sfence.sel $0x180000  }
0xdc: {  	[bflag:$0x0] =	sbarrier.arrive $0xFFFF  }
0xdd: {  	p0 =	sne.s32 s3, $0x0;
	_ =	strace $0x90000047  }
0xde: {  	s0 =	sadd.s32 @!p0 $0x100000, s0;
	[bflag:$0x2] =	sbarrier.arrive $0xFFFF  }
0xdf: {  	[sflag:s0] =	ssyncadd.tile.s32 @!p0 $0x1;
	_ =	shalt  }
.Lfunc_end2:
_tile_overlayer_lowered:
.L_overlay_start_2:
0xe0: {  	(tag) =	ssettag $0x2  }
0xe1: {  	s0 =	rddreg [dreg:$0x0];
	s2 =	stileid.u32  }
0xe2: {  	s1 =	rddreg [dreg:$0x1];
	p0 =	sne.s32 s2, $0x0  }
0xe3: {  	s3 =	rddreg [dreg:$0x2];
	[bflag:$0x3] =	sbarrier.arrive $0xFFFF;
	s2 =	simm.s32 @!p0 $0x1C05  }
0xe4: {  	[timem:s3], [sflag:s2] =	dma.local @!p0 [hbm:s0], s1  }
0xe5: {  	s0 =	simm.s32 @!p0 $0x5  }
0xe6: {  	_ =	swait.ge @!p0 [sflag:s0], s1  }
0xe7: {  	s1 =	ssub.s32 @!p0 $0x0, s1;
	[sflag:s0] =	ssyncset.done @!p0 $0x0  }
0xe8: {  	[sflag:s0] =	ssyncadd.s32 @!p0 s1  }
0xe9: {  	[bflag:$0x3] =	sbarrier.arrive $0xFFFF  }
0xea: {  	_ =	shalt  }

</sc_bundles>
